<compile_context>
chip_gen: v7x
topology: tpu7x:2x2x1
jax: 0.10.2.dev20260603
libtpu: 0.0.44.dev20260713+nightly
codegen_flags: <defaults>
</compile_context>

<pallas_src>
import math

import jax
import jax.numpy as jnp
from jax import lax
from jax.experimental import pallas as pl
from jax.experimental.pallas import tpu as pltpu
from jax.experimental.pallas import tpu_sc as plsc

D_MODEL = 1024
SCALE = math.sqrt(D_MODEL)
LANES = 16
VPR = D_MODEL // LANES

NC = 2
NS = 16
NW = NC * NS

B_TOTAL = 4 * 4096
B_PER_W = B_TOTAL // NW
CHUNK = 16
NCHUNK = B_PER_W // CHUNK
NBUF = 7
LOOKAHEAD = 6
UNROLL = 8


def _emb_kernel(x_hbm, table_hbm, out_hbm, idx_v, ring, gsem, ssem):
  wid = lax.axis_index("s") * NC + lax.axis_index("c")
  base = wid * B_PER_W

  x_row = base // (B_TOTAL // 4)
  x_off = lax.rem(base, B_TOTAL // 4)
  pltpu.sync_copy(x_hbm.at[x_row, pl.ds(x_off, B_PER_W)], idx_v)

  def gather_copy(c, s):
    return pltpu.make_async_copy(
        table_hbm.at[idx_v.at[pl.ds(c * CHUNK, CHUNK)]], ring.at[s],
        gsem.at[s])

  b_idx = base // (B_TOTAL // 4)
  b_off = lax.rem(base, B_TOTAL // 4)

  def store_copy(c, s):
    return pltpu.make_async_copy(
        ring.at[s], out_hbm.at[b_idx, pl.ds(b_off + c * CHUNK, CHUNK)],
        ssem.at[s])

  def scale_chunk(s):
    @plsc.parallel_loop(0, CHUNK * VPR, step=1, unroll=UNROLL)
    def _body(i):
      r = lax.shift_right_logical(i, 6)
      off = lax.shift_left(lax.bitwise_and(i, VPR - 1), 4)
      sl = pl.ds(pl.multiple_of(off, LANES), LANES)
      ring[s, r, sl] = ring[s, r, sl] * SCALE

  for c in range(LOOKAHEAD):
    gather_copy(c, c).start()

  def step(c, carry):
    g = c + LOOKAHEAD

    @pl.when(g < NCHUNK)
    def _():
      sg = lax.rem(g, NBUF)

      @pl.when(g >= NBUF)
      def _():
        store_copy(g - NBUF, sg).wait()

      gather_copy(g, sg).start()

    s = lax.rem(c, NBUF)
    gather_copy(c, s).wait()
    scale_chunk(s)
    store_copy(c, s).start()
    return carry

  lax.fori_loop(0, NCHUNK, step, 0)

  for c in range(NCHUNK - NBUF, NCHUNK):
    store_copy(c, c % NBUF).wait()


@jax.jit
def kernel(x, table):
  idx = x.astype(jnp.int32)
  mesh = plsc.VectorSubcoreMesh(
      core_axis_name="c", subcore_axis_name="s", num_cores=NC,
      num_subcores=NS)
  run = pl.kernel(
      _emb_kernel,
      out_type=jax.ShapeDtypeStruct((4, B_TOTAL // 4, D_MODEL), jnp.float32),
      mesh=mesh,
      scratch_types=[
          pltpu.VMEM((B_PER_W,), jnp.int32),
          pltpu.VMEM((NBUF, CHUNK, D_MODEL), jnp.float32),
          pltpu.SemaphoreType.DMA((NBUF,)),
          pltpu.SemaphoreType.DMA((NBUF,)),
      ],
  )
  return run(idx, table)

# --- scband reference (transcript-rebuilt; emitter-appended) ---
"""Pipeline reference for scband-input-embeddings-42717744726774 (READ-ONLY COPY).

The authoritative reference and input builder live on the scoring server;
editing this copy changes nothing except your own understanding.
"""

import jax, jax.numpy as jnp
import numpy as np
import math

D_MODEL = 1024
VOCAB = 100000

def setup_inputs(seed: int = 0) -> dict:
    key = jax.random.key(seed)
    k1, k2 = jax.random.split(key)
    x = jax.random.randint(k1, (4, 4096), 0, VOCAB, dtype=jnp.int64 if jax.config.jax_enable_x64 else jnp.int32)
    table = jax.random.normal(k2, (VOCAB, D_MODEL), dtype=jnp.float32)
    return {"x": x, "table": table}

def reference(x, table):
    # nn.Embedding lookup followed by scaling by sqrt(d_model)
    emb = jnp.take(table, x, axis=0)
    return emb * math.sqrt(D_MODEL)

if __name__ == "__main__":
    import jax
    _d = setup_inputs()
    print(jax.jit(kernel)(*tuple(_d.values())))

</pallas_src>

<mosaic_0001>
#map = affine_map<(d0, d1) -> (0, 0)>
#map1 = affine_map<(d0, d1) -> (0, 0, 0)>
module attributes {stable_mosaic.version = 14 : i64} {
  func.func @_emb_kernel(%arg0: i32, %arg1: i32, %arg2: memref<4x4096xi32, #tpu.memory_space<hbm>>, %arg3: memref<100000x1024xf32, #tpu.memory_space<hbm>>, %arg4: memref<4x4096x1024xf32, #tpu.memory_space<hbm>>, %arg5: memref<512xi32, #tpu.memory_space<vmem>>, %arg6: memref<7x16x1024xf32, #tpu.memory_space<vmem>>, %arg7: memref<7x!tpu.dma_semaphore, #tpu.memory_space<semaphore_mem>>, %arg8: memref<7x!tpu.dma_semaphore, #tpu.memory_space<semaphore_mem>>) attributes {dimension_semantics = [#tpu.dimension_semantics<core_parallel>, #tpu.dimension_semantics<subcore_parallel>], iteration_bounds = array<i64: 2, 16>, scalar_prefetch = 0 : i64, scratch_operands = 4 : i64, tpu.core_type = #tpu.core_type<sc_vector_subcore>, window_params = [{transform_indices = #map}, {transform_indices = #map}, {transform_indices = #map1}]} {
    %mul3A = arith.constant 2 : i32
    %mul3A_0 = arith.muli %arg1, %mul3A : i32
    %add3A = arith.addi %mul3A_0, %arg0 : i32
    %mul3A_1 = arith.constant 512 : i32
    %mul3A_2 = arith.muli %add3A, %mul3A_1 : i32
    %jit3A = arith.constant 4096 : i32
    %div3A = arith.divsi %mul3A_2, %jit3A : i32
    %sign3A = arith.constant 0 : i32
    %sign3A_3 = arith.cmpi sgt, %mul3A_2, %sign3A : i32
    %sign3A_4 = arith.extui %sign3A_3 : i1 to i32
    %sign3A_5 = arith.constant 0 : i32
    %sign3A_6 = arith.cmpi slt, %mul3A_2, %sign3A_5 : i32
    %sign3A_7 = arith.extui %sign3A_6 : i1 to i32
    %sign3A_8 = arith.subi %sign3A_4, %sign3A_7 : i32
    %sign3A_9 = arith.constant 0 : i32
    %sign3A_10 = arith.cmpi sgt, %jit3A, %sign3A_9 : i32
    %sign3A_11 = arith.extui %sign3A_10 : i1 to i32
    %sign3A_12 = arith.constant 0 : i32
    %sign3A_13 = arith.cmpi slt, %jit3A, %sign3A_12 : i32
    %sign3A_14 = arith.extui %sign3A_13 : i1 to i32
    %sign3A_15 = arith.subi %sign3A_11, %sign3A_14 : i32
    %ne3A = arith.cmpi ne, %sign3A_8, %sign3A_15 : i32
    %rem3A = arith.remsi %mul3A_2, %jit3A : i32
    %ne3A_16 = arith.constant 0 : i32
    %ne3A_17 = arith.cmpi ne, %rem3A, %ne3A_16 : i32
    %and3A = arith.andi %ne3A, %ne3A_17 : i1
    %sub3A = arith.constant 1 : i32
    %sub3A_18 = arith.subi %div3A, %sub3A : i32
    %select_n3A = arith.select %and3A, %sub3A_18, %div3A : i32
    %rem3A_19 = arith.constant 4096 : i32
    %rem3A_20 = arith.remsi %mul3A_2, %rem3A_19 : i32
    "tpu.region"() ({
      %run_scoped3A = tpu.sem_alloc : memref<!tpu.dma_semaphore, #tpu.memory_space<semaphore_mem>>
      %dma_start3A_268 = tpu.memref_slice %arg2[%select_n3A, %rem3A_20] : memref<4x4096xi32, #tpu.memory_space<hbm>> -> memref<1x512xi32, #tpu.memory_space<hbm>>
      %dma_start3A_269 = tpu.memref_squeeze %dma_start3A_268 : memref<1x512xi32, #tpu.memory_space<hbm>> -> memref<512xi32, #tpu.memory_space<hbm>>
      %dma_start3A_270 = tpu.memref_slice %arg2[%select_n3A, %rem3A_20] : memref<4x4096xi32, #tpu.memory_space<hbm>> -> memref<1x512xi32, #tpu.memory_space<hbm>>
      %dma_start3A_271 = tpu.memref_squeeze %dma_start3A_270 : memref<1x512xi32, #tpu.memory_space<hbm>> -> memref<512xi32, #tpu.memory_space<hbm>>
      tpu.enqueue_dma source(%dma_start3A_271 : memref<512xi32, #tpu.memory_space<hbm>>) target(%arg5 : memref<512xi32, #tpu.memory_space<vmem>>) target_semaphore(%run_scoped3A : memref<!tpu.dma_semaphore, #tpu.memory_space<semaphore_mem>>)
      %dma_wait3A_272 = tpu.memref_slice %arg2[%select_n3A, %rem3A_20] : memref<4x4096xi32, #tpu.memory_space<hbm>> -> memref<1x512xi32, #tpu.memory_space<hbm>>
      %dma_wait3A_273 = tpu.memref_squeeze %dma_wait3A_272 : memref<1x512xi32, #tpu.memory_space<hbm>> -> memref<512xi32, #tpu.memory_space<hbm>>
      %dma_wait3A_274 = tpu.memref_slice %arg2[%select_n3A, %rem3A_20] : memref<4x4096xi32, #tpu.memory_space<hbm>> -> memref<1x512xi32, #tpu.memory_space<hbm>>
      %dma_wait3A_275 = tpu.memref_squeeze %dma_wait3A_274 : memref<1x512xi32, #tpu.memory_space<hbm>> -> memref<512xi32, #tpu.memory_space<hbm>>
      tpu.wait_dma2 semaphore(%run_scoped3A : memref<!tpu.dma_semaphore, #tpu.memory_space<semaphore_mem>>) src(%dma_wait3A_275 : memref<512xi32, #tpu.memory_space<hbm>>) dst(%arg5 : memref<512xi32, #tpu.memory_space<vmem>>)
      tpu.yield
    }) : () -> ()
    %jit3A_21 = arith.constant 4096 : i32
    %div3A_22 = arith.divsi %mul3A_2, %jit3A_21 : i32
    %sign3A_23 = arith.constant 0 : i32
    %sign3A_24 = arith.cmpi sgt, %mul3A_2, %sign3A_23 : i32
    %sign3A_25 = arith.extui %sign3A_24 : i1 to i32
    %sign3A_26 = arith.constant 0 : i32
    %sign3A_27 = arith.cmpi slt, %mul3A_2, %sign3A_26 : i32
    %sign3A_28 = arith.extui %sign3A_27 : i1 to i32
    %sign3A_29 = arith.subi %sign3A_25, %sign3A_28 : i32
    %sign3A_30 = arith.constant 0 : i32
    %sign3A_31 = arith.cmpi sgt, %jit3A_21, %sign3A_30 : i32
    %sign3A_32 = arith.extui %sign3A_31 : i1 to i32
    %sign3A_33 = arith.constant 0 : i32
    %sign3A_34 = arith.cmpi slt, %jit3A_21, %sign3A_33 : i32
    %sign3A_35 = arith.extui %sign3A_34 : i1 to i32
    %sign3A_36 = arith.subi %sign3A_32, %sign3A_35 : i32
    %ne3A_37 = arith.cmpi ne, %sign3A_29, %sign3A_36 : i32
    %rem3A_38 = arith.remsi %mul3A_2, %jit3A_21 : i32
    %ne3A_39 = arith.constant 0 : i32
    %ne3A_40 = arith.cmpi ne, %rem3A_38, %ne3A_39 : i32
    %and3A_41 = arith.andi %ne3A_37, %ne3A_40 : i1
    %sub3A_42 = arith.constant 1 : i32
    %sub3A_43 = arith.subi %div3A_22, %sub3A_42 : i32
    %select_n3A_44 = arith.select %and3A_41, %sub3A_43, %div3A_22 : i32
    %rem3A_45 = arith.constant 4096 : i32
    %rem3A_46 = arith.remsi %mul3A_2, %rem3A_45 : i32
    %dma_start3A = arith.constant 0 : i32
    %dma_start3A_47 = arith.constant 0 : i32
    %dma_start3A_48 = arith.constant 0 : i32
    %dma_start3A_49 = arith.constant 0 : i32
    %dma_start3A_50 = tpu.memref_slice %arg6[%dma_start3A, %dma_start3A_48, %dma_start3A_49] : memref<7x16x1024xf32, #tpu.memory_space<vmem>> -> memref<1x16x1024xf32, #tpu.memory_space<vmem>>
    %dma_start3A_51 = tpu.memref_squeeze %dma_start3A_50 : memref<1x16x1024xf32, #tpu.memory_space<vmem>> -> memref<16x1024xf32, #tpu.memory_space<vmem>>
    %dma_start3A_52 = arith.constant 0 : i32
    %dma_start3A_53 = tpu.memref_slice %arg5[%dma_start3A_52] : memref<512xi32, #tpu.memory_space<vmem>> -> memref<16xi32, #tpu.memory_space<vmem>>
    %dma_start3A_54 = arith.constant 0 : i32
    %dma_start3A_55 = arith.constant 0 : i32
    %dma_start3A_56 = tpu.memref_slice %arg3[%dma_start3A_54, %dma_start3A_55] : memref<100000x1024xf32, #tpu.memory_space<hbm>> -> memref<100000x1024xf32, #tpu.memory_space<hbm>>
    %dma_start3A_57 = tpu.memref_slice %arg7[%dma_start3A_47] : memref<7x!tpu.dma_semaphore, #tpu.memory_space<semaphore_mem>> -> memref<1x!tpu.dma_semaphore, #tpu.memory_space<semaphore_mem>>
    %dma_start3A_58 = tpu.memref_squeeze %dma_start3A_57 : memref<1x!tpu.dma_semaphore, #tpu.memory_space<semaphore_mem>> -> memref<!tpu.dma_semaphore, #tpu.memory_space<semaphore_mem>>
    tpu.enqueue_indirect_dma source(%dma_start3A_56 : memref<100000x1024xf32, #tpu.memory_space<hbm>>) target(%dma_start3A_51 : memref<16x1024xf32, #tpu.memory_space<vmem>>) offsets(%dma_start3A_53 : memref<16xi32, #tpu.memory_space<vmem>>) semaphore(%dma_start3A_58 : memref<!tpu.dma_semaphore, #tpu.memory_space<semaphore_mem>>)
    %dma_start3A_59 = arith.constant 1 : i32
    %dma_start3A_60 = arith.constant 1 : i32
    %dma_start3A_61 = arith.constant 0 : i32
    %dma_start3A_62 = arith.constant 0 : i32
    %dma_start3A_63 = tpu.memref_slice %arg6[%dma_start3A_59, %dma_start3A_61, %dma_start3A_62] : memref<7x16x1024xf32, #tpu.memory_space<vmem>> -> memref<1x16x1024xf32, #tpu.memory_space<vmem>>
    %dma_start3A_64 = tpu.memref_squeeze %dma_start3A_63 : memref<1x16x1024xf32, #tpu.memory_space<vmem>> -> memref<16x1024xf32, #tpu.memory_space<vmem>>
    %dma_start3A_65 = arith.constant 16 : i32
    %dma_start3A_66 = tpu.memref_slice %arg5[%dma_start3A_65] : memref<512xi32, #tpu.memory_space<vmem>> -> memref<16xi32, #tpu.memory_space<vmem>>
    %dma_start3A_67 = arith.constant 0 : i32
    %dma_start3A_68 = arith.constant 0 : i32
    %dma_start3A_69 = tpu.memref_slice %arg3[%dma_start3A_67, %dma_start3A_68] : memref<100000x1024xf32, #tpu.memory_space<hbm>> -> memref<100000x1024xf32, #tpu.memory_space<hbm>>
    %dma_start3A_70 = tpu.memref_slice %arg7[%dma_start3A_60] : memref<7x!tpu.dma_semaphore, #tpu.memory_space<semaphore_mem>> -> memref<1x!tpu.dma_semaphore, #tpu.memory_space<semaphore_mem>>
    %dma_start3A_71 = tpu.memref_squeeze %dma_start3A_70 : memref<1x!tpu.dma_semaphore, #tpu.memory_space<semaphore_mem>> -> memref<!tpu.dma_semaphore, #tpu.memory_space<semaphore_mem>>
    tpu.enqueue_indirect_dma source(%dma_start3A_69 : memref<100000x1024xf32, #tpu.memory_space<hbm>>) target(%dma_start3A_64 : memref<16x1024xf32, #tpu.memory_space<vmem>>) offsets(%dma_start3A_66 : memref<16xi32, #tpu.memory_space<vmem>>) semaphore(%dma_start3A_71 : memref<!tpu.dma_semaphore, #tpu.memory_space<semaphore_mem>>)
    %dma_start3A_72 = arith.constant 2 : i32
    %dma_start3A_73 = arith.constant 2 : i32
    %dma_start3A_74 = arith.constant 0 : i32
    %dma_start3A_75 = arith.constant 0 : i32
    %dma_start3A_76 = tpu.memref_slice %arg6[%dma_start3A_72, %dma_start3A_74, %dma_start3A_75] : memref<7x16x1024xf32, #tpu.memory_space<vmem>> -> memref<1x16x1024xf32, #tpu.memory_space<vmem>>
    %dma_start3A_77 = tpu.memref_squeeze %dma_start3A_76 : memref<1x16x1024xf32, #tpu.memory_space<vmem>> -> memref<16x1024xf32, #tpu.memory_space<vmem>>
    %dma_start3A_78 = arith.constant 32 : i32
    %dma_start3A_79 = tpu.memref_slice %arg5[%dma_start3A_78] : memref<512xi32, #tpu.memory_space<vmem>> -> memref<16xi32, #tpu.memory_space<vmem>>
    %dma_start3A_80 = arith.constant 0 : i32
    %dma_start3A_81 = arith.constant 0 : i32
    %dma_start3A_82 = tpu.memref_slice %arg3[%dma_start3A_80, %dma_start3A_81] : memref<100000x1024xf32, #tpu.memory_space<hbm>> -> memref<100000x1024xf32, #tpu.memory_space<hbm>>
    %dma_start3A_83 = tpu.memref_slice %arg7[%dma_start3A_73] : memref<7x!tpu.dma_semaphore, #tpu.memory_space<semaphore_mem>> -> memref<1x!tpu.dma_semaphore, #tpu.memory_space<semaphore_mem>>
    %dma_start3A_84 = tpu.memref_squeeze %dma_start3A_83 : memref<1x!tpu.dma_semaphore, #tpu.memory_space<semaphore_mem>> -> memref<!tpu.dma_semaphore, #tpu.memory_space<semaphore_mem>>
    tpu.enqueue_indirect_dma source(%dma_start3A_82 : memref<100000x1024xf32, #tpu.memory_space<hbm>>) target(%dma_start3A_77 : memref<16x1024xf32, #tpu.memory_space<vmem>>) offsets(%dma_start3A_79 : memref<16xi32, #tpu.memory_space<vmem>>) semaphore(%dma_start3A_84 : memref<!tpu.dma_semaphore, #tpu.memory_space<semaphore_mem>>)
    %dma_start3A_85 = arith.constant 3 : i32
    %dma_start3A_86 = arith.constant 3 : i32
    %dma_start3A_87 = arith.constant 0 : i32
    %dma_start3A_88 = arith.constant 0 : i32
    %dma_start3A_89 = tpu.memref_slice %arg6[%dma_start3A_85, %dma_start3A_87, %dma_start3A_88] : memref<7x16x1024xf32, #tpu.memory_space<vmem>> -> memref<1x16x1024xf32, #tpu.memory_space<vmem>>
    %dma_start3A_90 = tpu.memref_squeeze %dma_start3A_89 : memref<1x16x1024xf32, #tpu.memory_space<vmem>> -> memref<16x1024xf32, #tpu.memory_space<vmem>>
    %dma_start3A_91 = arith.constant 48 : i32
    %dma_start3A_92 = tpu.memref_slice %arg5[%dma_start3A_91] : memref<512xi32, #tpu.memory_space<vmem>> -> memref<16xi32, #tpu.memory_space<vmem>>
    %dma_start3A_93 = arith.constant 0 : i32
    %dma_start3A_94 = arith.constant 0 : i32
    %dma_start3A_95 = tpu.memref_slice %arg3[%dma_start3A_93, %dma_start3A_94] : memref<100000x1024xf32, #tpu.memory_space<hbm>> -> memref<100000x1024xf32, #tpu.memory_space<hbm>>
    %dma_start3A_96 = tpu.memref_slice %arg7[%dma_start3A_86] : memref<7x!tpu.dma_semaphore, #tpu.memory_space<semaphore_mem>> -> memref<1x!tpu.dma_semaphore, #tpu.memory_space<semaphore_mem>>
    %dma_start3A_97 = tpu.memref_squeeze %dma_start3A_96 : memref<1x!tpu.dma_semaphore, #tpu.memory_space<semaphore_mem>> -> memref<!tpu.dma_semaphore, #tpu.memory_space<semaphore_mem>>
    tpu.enqueue_indirect_dma source(%dma_start3A_95 : memref<100000x1024xf32, #tpu.memory_space<hbm>>) target(%dma_start3A_90 : memref<16x1024xf32, #tpu.memory_space<vmem>>) offsets(%dma_start3A_92 : memref<16xi32, #tpu.memory_space<vmem>>) semaphore(%dma_start3A_97 : memref<!tpu.dma_semaphore, #tpu.memory_space<semaphore_mem>>)
    %dma_start3A_98 = arith.constant 4 : i32
    %dma_start3A_99 = arith.constant 4 : i32
    %dma_start3A_100 = arith.constant 0 : i32
    %dma_start3A_101 = arith.constant 0 : i32
    %dma_start3A_102 = tpu.memref_slice %arg6[%dma_start3A_98, %dma_start3A_100, %dma_start3A_101] : memref<7x16x1024xf32, #tpu.memory_space<vmem>> -> memref<1x16x1024xf32, #tpu.memory_space<vmem>>
    %dma_start3A_103 = tpu.memref_squeeze %dma_start3A_102 : memref<1x16x1024xf32, #tpu.memory_space<vmem>> -> memref<16x1024xf32, #tpu.memory_space<vmem>>
    %dma_start3A_104 = arith.constant 64 : i32
    %dma_start3A_105 = tpu.memref_slice %arg5[%dma_start3A_104] : memref<512xi32, #tpu.memory_space<vmem>> -> memref<16xi32, #tpu.memory_space<vmem>>
    %dma_start3A_106 = arith.constant 0 : i32
    %dma_start3A_107 = arith.constant 0 : i32
    %dma_start3A_108 = tpu.memref_slice %arg3[%dma_start3A_106, %dma_start3A_107] : memref<100000x1024xf32, #tpu.memory_space<hbm>> -> memref<100000x1024xf32, #tpu.memory_space<hbm>>
    %dma_start3A_109 = tpu.memref_slice %arg7[%dma_start3A_99] : memref<7x!tpu.dma_semaphore, #tpu.memory_space<semaphore_mem>> -> memref<1x!tpu.dma_semaphore, #tpu.memory_space<semaphore_mem>>
    %dma_start3A_110 = tpu.memref_squeeze %dma_start3A_109 : memref<1x!tpu.dma_semaphore, #tpu.memory_space<semaphore_mem>> -> memref<!tpu.dma_semaphore, #tpu.memory_space<semaphore_mem>>
    tpu.enqueue_indirect_dma source(%dma_start3A_108 : memref<100000x1024xf32, #tpu.memory_space<hbm>>) target(%dma_start3A_103 : memref<16x1024xf32, #tpu.memory_space<vmem>>) offsets(%dma_start3A_105 : memref<16xi32, #tpu.memory_space<vmem>>) semaphore(%dma_start3A_110 : memref<!tpu.dma_semaphore, #tpu.memory_space<semaphore_mem>>)
    %dma_start3A_111 = arith.constant 5 : i32
    %dma_start3A_112 = arith.constant 5 : i32
    %dma_start3A_113 = arith.constant 0 : i32
    %dma_start3A_114 = arith.constant 0 : i32
    %dma_start3A_115 = tpu.memref_slice %arg6[%dma_start3A_111, %dma_start3A_113, %dma_start3A_114] : memref<7x16x1024xf32, #tpu.memory_space<vmem>> -> memref<1x16x1024xf32, #tpu.memory_space<vmem>>
    %dma_start3A_116 = tpu.memref_squeeze %dma_start3A_115 : memref<1x16x1024xf32, #tpu.memory_space<vmem>> -> memref<16x1024xf32, #tpu.memory_space<vmem>>
    %dma_start3A_117 = arith.constant 80 : i32
    %dma_start3A_118 = tpu.memref_slice %arg5[%dma_start3A_117] : memref<512xi32, #tpu.memory_space<vmem>> -> memref<16xi32, #tpu.memory_space<vmem>>
    %dma_start3A_119 = arith.constant 0 : i32
    %dma_start3A_120 = arith.constant 0 : i32
    %dma_start3A_121 = tpu.memref_slice %arg3[%dma_start3A_119, %dma_start3A_120] : memref<100000x1024xf32, #tpu.memory_space<hbm>> -> memref<100000x1024xf32, #tpu.memory_space<hbm>>
    %dma_start3A_122 = tpu.memref_slice %arg7[%dma_start3A_112] : memref<7x!tpu.dma_semaphore, #tpu.memory_space<semaphore_mem>> -> memref<1x!tpu.dma_semaphore, #tpu.memory_space<semaphore_mem>>
    %dma_start3A_123 = tpu.memref_squeeze %dma_start3A_122 : memref<1x!tpu.dma_semaphore, #tpu.memory_space<semaphore_mem>> -> memref<!tpu.dma_semaphore, #tpu.memory_space<semaphore_mem>>
    tpu.enqueue_indirect_dma source(%dma_start3A_121 : memref<100000x1024xf32, #tpu.memory_space<hbm>>) target(%dma_start3A_116 : memref<16x1024xf32, #tpu.memory_space<vmem>>) offsets(%dma_start3A_118 : memref<16xi32, #tpu.memory_space<vmem>>) semaphore(%dma_start3A_123 : memref<!tpu.dma_semaphore, #tpu.memory_space<semaphore_mem>>)
    %scan3A = arith.constant 0 : i32
    %scan3A_124 = arith.constant 0 : i32
    %scan3A_125 = arith.constant 32 : i32
    %scan3A_126 = arith.addi %scan3A_124, %scan3A_125 : i32
    %scan3A_127 = arith.constant 1 : i32
    scf.for %scan3A_268 = %scan3A_124 to %scan3A_126 step %scan3A_127  : i32 {
      %add3A_269 = arith.constant 6 : i32
      %add3A_270 = arith.addi %scan3A_268, %add3A_269 : i32
      %lt3A = arith.constant 32 : i32
      %lt3A_271 = arith.cmpi slt, %add3A_270, %lt3A : i32
      %convert_element_type3A = arith.extui %lt3A_271 : i1 to i32
      %cond3A = arith.constant 0 : i32
      %cond3A_272 = arith.cmpi ne, %convert_element_type3A, %cond3A : i32
      scf.if %cond3A_272 {
        %rem3A_308 = arith.constant 7 : i32
        %rem3A_309 = arith.remsi %add3A_270, %rem3A_308 : i32
        %ge3A = arith.constant 7 : i32
        %ge3A_310 = arith.cmpi sge, %add3A_270, %ge3A : i32
        %convert_element_type3A_311 = arith.extui %ge3A_310 : i1 to i32
        %cond3A_312 = arith.constant 0 : i32
        %cond3A_313 = arith.cmpi ne, %convert_element_type3A_311, %cond3A_312 : i32
        scf.if %cond3A_313 {
          %sub3A_326 = arith.constant 7 : i32
          %sub3A_327 = arith.subi %add3A_270, %sub3A_326 : i32
          %mul3A_328 = arith.constant 16 : i32
          %mul3A_329 = arith.muli %sub3A_327, %mul3A_328 : i32
          %add3A_330 = arith.addi %rem3A_46, %mul3A_329 : i32
          %dma_wait3A_331 = arith.constant 0 : i32
          %dma_wait3A_332 = arith.constant 0 : i32
          %dma_wait3A_333 = tpu.memref_slice %arg6[%rem3A_309, %dma_wait3A_331, %dma_wait3A_332] : memref<7x16x1024xf32, #tpu.memory_space<vmem>> -> memref<1x16x1024xf32, #tpu.memory_space<vmem>>
          %dma_wait3A_334 = tpu.memref_squeeze %dma_wait3A_333 : memref<1x16x1024xf32, #tpu.memory_space<vmem>> -> memref<16x1024xf32, #tpu.memory_space<vmem>>
          %dma_wait3A_335 = arith.constant 0 : i32
          %dma_wait3A_336 = tpu.memref_slice %arg4[%select_n3A_44, %add3A_330, %dma_wait3A_335] : memref<4x4096x1024xf32, #tpu.memory_space<hbm>> -> memref<1x16x1024xf32, #tpu.memory_space<hbm>>
          %dma_wait3A_337 = tpu.memref_squeeze %dma_wait3A_336 : memref<1x16x1024xf32, #tpu.memory_space<hbm>> -> memref<16x1024xf32, #tpu.memory_space<hbm>>
          %dma_wait3A_338 = tpu.memref_slice %arg8[%rem3A_309] : memref<7x!tpu.dma_semaphore, #tpu.memory_space<semaphore_mem>> -> memref<1x!tpu.dma_semaphore, #tpu.memory_space<semaphore_mem>>
          %dma_wait3A_339 = tpu.memref_squeeze %dma_wait3A_338 : memref<1x!tpu.dma_semaphore, #tpu.memory_space<semaphore_mem>> -> memref<!tpu.dma_semaphore, #tpu.memory_space<semaphore_mem>>
          %dma_wait3A_340 = arith.constant 0 : i32
          %dma_wait3A_341 = tpu.memref_slice %arg4[%select_n3A_44, %add3A_330, %dma_wait3A_340] : memref<4x4096x1024xf32, #tpu.memory_space<hbm>> -> memref<1x16x1024xf32, #tpu.memory_space<hbm>>
          %dma_wait3A_342 = tpu.memref_squeeze %dma_wait3A_341 : memref<1x16x1024xf32, #tpu.memory_space<hbm>> -> memref<16x1024xf32, #tpu.memory_space<hbm>>
          %dma_wait3A_343 = arith.constant 0 : i32
          %dma_wait3A_344 = arith.constant 0 : i32
          %dma_wait3A_345 = tpu.memref_slice %arg6[%rem3A_309, %dma_wait3A_343, %dma_wait3A_344] : memref<7x16x1024xf32, #tpu.memory_space<vmem>> -> memref<1x16x1024xf32, #tpu.memory_space<vmem>>
          %dma_wait3A_346 = tpu.memref_squeeze %dma_wait3A_345 : memref<1x16x1024xf32, #tpu.memory_space<vmem>> -> memref<16x1024xf32, #tpu.memory_space<vmem>>
          tpu.wait_dma2 semaphore(%dma_wait3A_339 : memref<!tpu.dma_semaphore, #tpu.memory_space<semaphore_mem>>) src(%dma_wait3A_346 : memref<16x1024xf32, #tpu.memory_space<vmem>>) dst(%dma_wait3A_342 : memref<16x1024xf32, #tpu.memory_space<hbm>>)
        } else {
        }
        %mul3A_314 = arith.constant 16 : i32
        %mul3A_315 = arith.muli %add3A_270, %mul3A_314 : i32
        %dma_start3A_316 = arith.constant 0 : i32
        %dma_start3A_317 = arith.constant 0 : i32
        %dma_start3A_318 = tpu.memref_slice %arg6[%rem3A_309, %dma_start3A_316, %dma_start3A_317] : memref<7x16x1024xf32, #tpu.memory_space<vmem>> -> memref<1x16x1024xf32, #tpu.memory_space<vmem>>
        %dma_start3A_319 = tpu.memref_squeeze %dma_start3A_318 : memref<1x16x1024xf32, #tpu.memory_space<vmem>> -> memref<16x1024xf32, #tpu.memory_space<vmem>>
        %dma_start3A_320 = tpu.memref_slice %arg5[%mul3A_315] : memref<512xi32, #tpu.memory_space<vmem>> -> memref<16xi32, #tpu.memory_space<vmem>>
        %dma_start3A_321 = arith.constant 0 : i32
        %dma_start3A_322 = arith.constant 0 : i32
        %dma_start3A_323 = tpu.memref_slice %arg3[%dma_start3A_321, %dma_start3A_322] : memref<100000x1024xf32, #tpu.memory_space<hbm>> -> memref<100000x1024xf32, #tpu.memory_space<hbm>>
        %dma_start3A_324 = tpu.memref_slice %arg7[%rem3A_309] : memref<7x!tpu.dma_semaphore, #tpu.memory_space<semaphore_mem>> -> memref<1x!tpu.dma_semaphore, #tpu.memory_space<semaphore_mem>>
        %dma_start3A_325 = tpu.memref_squeeze %dma_start3A_324 : memref<1x!tpu.dma_semaphore, #tpu.memory_space<semaphore_mem>> -> memref<!tpu.dma_semaphore, #tpu.memory_space<semaphore_mem>>
        tpu.enqueue_indirect_dma source(%dma_start3A_323 : memref<100000x1024xf32, #tpu.memory_space<hbm>>) target(%dma_start3A_319 : memref<16x1024xf32, #tpu.memory_space<vmem>>) offsets(%dma_start3A_320 : memref<16xi32, #tpu.memory_space<vmem>>) semaphore(%dma_start3A_325 : memref<!tpu.dma_semaphore, #tpu.memory_space<semaphore_mem>>)
      } else {
      }
      %rem3A_273 = arith.constant 7 : i32
      %rem3A_274 = arith.remsi %scan3A_268, %rem3A_273 : i32
      %mul3A_275 = arith.constant 16 : i32
      %mul3A_276 = arith.muli %scan3A_268, %mul3A_275 : i32
      %dma_wait3A_277 = arith.constant 0 : i32
      %dma_wait3A_278 = arith.constant 0 : i32
      %dma_wait3A_279 = tpu.memref_slice %arg6[%rem3A_274, %dma_wait3A_277, %dma_wait3A_278] : memref<7x16x1024xf32, #tpu.memory_space<vmem>> -> memref<1x16x1024xf32, #tpu.memory_space<vmem>>
      %dma_wait3A_280 = tpu.memref_squeeze %dma_wait3A_279 : memref<1x16x1024xf32, #tpu.memory_space<vmem>> -> memref<16x1024xf32, #tpu.memory_space<vmem>>
      %dma_wait3A_281 = tpu.memref_slice %arg5[%mul3A_276] : memref<512xi32, #tpu.memory_space<vmem>> -> memref<16xi32, #tpu.memory_space<vmem>>
      %dma_wait3A_282 = arith.constant 0 : i32
      %dma_wait3A_283 = arith.constant 0 : i32
      %dma_wait3A_284 = tpu.memref_slice %arg3[%dma_wait3A_282, %dma_wait3A_283] : memref<100000x1024xf32, #tpu.memory_space<hbm>> -> memref<100000x1024xf32, #tpu.memory_space<hbm>>
      %dma_wait3A_285 = tpu.memref_slice %arg7[%rem3A_274] : memref<7x!tpu.dma_semaphore, #tpu.memory_space<semaphore_mem>> -> memref<1x!tpu.dma_semaphore, #tpu.memory_space<semaphore_mem>>
      %dma_wait3A_286 = tpu.memref_squeeze %dma_wait3A_285 : memref<1x!tpu.dma_semaphore, #tpu.memory_space<semaphore_mem>> -> memref<!tpu.dma_semaphore, #tpu.memory_space<semaphore_mem>>
      tpu.wait_indirect_dma semaphore(%dma_wait3A_286 : memref<!tpu.dma_semaphore, #tpu.memory_space<semaphore_mem>>) src(%dma_wait3A_284 : memref<100000x1024xf32, #tpu.memory_space<hbm>>) dst(%dma_wait3A_280 : memref<16x1024xf32, #tpu.memory_space<vmem>>)
      %parallel_loop3A = arith.constant 0 : i32
      %parallel_loop3A_287 = arith.constant 1024 : i32
      %parallel_loop3A_288 = arith.constant 1 : i32
      scf.for %parallel_loop3A_308 = %parallel_loop3A to %parallel_loop3A_287 step %parallel_loop3A_288  : i32 {
        %parallel_loop3A_309 = arith.constant 6 : i32
        %parallel_loop3A_310 = arith.shrui %parallel_loop3A_308, %parallel_loop3A_309 : i32
        %parallel_loop3A_311 = arith.constant 63 : i32
        %parallel_loop3A_312 = arith.andi %parallel_loop3A_308, %parallel_loop3A_311 : i32
        %parallel_loop3A_313 = arith.constant 4 : i32
        %parallel_loop3A_314 = arith.shli %parallel_loop3A_312, %parallel_loop3A_313 : i32
        %parallel_loop3A_315 = tpu.assume_multiple %parallel_loop3A_314, 16 : i32
        %parallel_loop3A_316 = arith.index_cast %rem3A_274 : i32 to index
        %parallel_loop3A_317 = arith.index_cast %parallel_loop3A_310 : i32 to index
        %parallel_loop3A_318 = arith.index_cast %parallel_loop3A_315 : i32 to index
        %parallel_loop3A_319 = tpu.vector_load %arg6[%parallel_loop3A_316, %parallel_loop3A_317, %parallel_loop3A_318] {strides = array<i32>} : memref<7x16x1024xf32, #tpu.memory_space<vmem>>, vector<1x1x16xf32>,
        %parallel_loop3A_320 = vector.shape_cast %parallel_loop3A_319 : vector<1x1x16xf32> to vector<16xf32>
        %parallel_loop3A_321 = arith.constant 3.200000e+01 : f32
        %parallel_loop3A_322 = vector.broadcast %parallel_loop3A_321 : f32 to vector<16xf32>
        %parallel_loop3A_323 = arith.mulf %parallel_loop3A_320, %parallel_loop3A_322 : vector<16xf32>
        %parallel_loop3A_324 = arith.index_cast %rem3A_274 : i32 to index
        %parallel_loop3A_325 = arith.index_cast %parallel_loop3A_310 : i32 to index
        %parallel_loop3A_326 = arith.index_cast %parallel_loop3A_315 : i32 to index
        %parallel_loop3A_327 = tpu.vector_load %arg6[%parallel_loop3A_324, %parallel_loop3A_325, %parallel_loop3A_326] {strides = array<i32>} : memref<7x16x1024xf32, #tpu.memory_space<vmem>>, vector<1x1x16xf32>,
        %parallel_loop3A_328 = vector.shape_cast %parallel_loop3A_327 : vector<1x1x16xf32> to vector<16xf32>
        %parallel_loop3A_329 = vector.shape_cast %parallel_loop3A_323 : vector<16xf32> to vector<1x1x16xf32>
        tpu.vector_store %arg6[%parallel_loop3A_324, %parallel_loop3A_325, %parallel_loop3A_326], %parallel_loop3A_329 {strides = array<i32>} : memref<7x16x1024xf32, #tpu.memory_space<vmem>>, vector<1x1x16xf32>,
      } {sc.loop_unroll_factor = 8 : i64, sc.parallel_access}
      %mul3A_289 = arith.constant 16 : i32
      %mul3A_290 = arith.muli %scan3A_268, %mul3A_289 : i32
      %add3A_291 = arith.addi %rem3A_46, %mul3A_290 : i32
      %dma_start3A_292 = arith.constant 0 : i32
      %dma_start3A_293 = arith.constant 0 : i32
      %dma_start3A_294 = tpu.memref_slice %arg6[%rem3A_274, %dma_start3A_292, %dma_start3A_293] : memref<7x16x1024xf32, #tpu.memory_space<vmem>> -> memref<1x16x1024xf32, #tpu.memory_space<vmem>>
      %dma_start3A_295 = tpu.memref_squeeze %dma_start3A_294 : memref<1x16x1024xf32, #tpu.memory_space<vmem>> -> memref<16x1024xf32, #tpu.memory_space<vmem>>
      %dma_start3A_296 = arith.constant 0 : i32
      %dma_start3A_297 = tpu.memref_slice %arg4[%select_n3A_44, %add3A_291, %dma_start3A_296] : memref<4x4096x1024xf32, #tpu.memory_space<hbm>> -> memref<1x16x1024xf32, #tpu.memory_space<hbm>>
      %dma_start3A_298 = tpu.memref_squeeze %dma_start3A_297 : memref<1x16x1024xf32, #tpu.memory_space<hbm>> -> memref<16x1024xf32, #tpu.memory_space<hbm>>
      %dma_start3A_299 = tpu.memref_slice %arg8[%rem3A_274] : memref<7x!tpu.dma_semaphore, #tpu.memory_space<semaphore_mem>> -> memref<1x!tpu.dma_semaphore, #tpu.memory_space<semaphore_mem>>
      %dma_start3A_300 = tpu.memref_squeeze %dma_start3A_299 : memref<1x!tpu.dma_semaphore, #tpu.memory_space<semaphore_mem>> -> memref<!tpu.dma_semaphore, #tpu.memory_space<semaphore_mem>>
      %dma_start3A_301 = arith.constant 0 : i32
      %dma_start3A_302 = tpu.memref_slice %arg4[%select_n3A_44, %add3A_291, %dma_start3A_301] : memref<4x4096x1024xf32, #tpu.memory_space<hbm>> -> memref<1x16x1024xf32, #tpu.memory_space<hbm>>
      %dma_start3A_303 = tpu.memref_squeeze %dma_start3A_302 : memref<1x16x1024xf32, #tpu.memory_space<hbm>> -> memref<16x1024xf32, #tpu.memory_space<hbm>>
      %dma_start3A_304 = arith.constant 0 : i32
      %dma_start3A_305 = arith.constant 0 : i32
      %dma_start3A_306 = tpu.memref_slice %arg6[%rem3A_274, %dma_start3A_304, %dma_start3A_305] : memref<7x16x1024xf32, #tpu.memory_space<vmem>> -> memref<1x16x1024xf32, #tpu.memory_space<vmem>>
      %dma_start3A_307 = tpu.memref_squeeze %dma_start3A_306 : memref<1x16x1024xf32, #tpu.memory_space<vmem>> -> memref<16x1024xf32, #tpu.memory_space<vmem>>
      tpu.enqueue_dma source(%dma_start3A_307 : memref<16x1024xf32, #tpu.memory_space<vmem>>) target(%dma_start3A_303 : memref<16x1024xf32, #tpu.memory_space<hbm>>) target_semaphore(%dma_start3A_300 : memref<!tpu.dma_semaphore, #tpu.memory_space<semaphore_mem>>)
    }
    %scan3A_128 = arith.constant 32 : i32
    %add3A_129 = arith.constant 400 : i32
    %add3A_130 = arith.addi %rem3A_46, %add3A_129 : i32
    %dma_wait3A = arith.constant 4 : i32
    %dma_wait3A_131 = arith.constant 4 : i32
    %dma_wait3A_132 = arith.constant 0 : i32
    %dma_wait3A_133 = arith.constant 0 : i32
    %dma_wait3A_134 = tpu.memref_slice %arg6[%dma_wait3A, %dma_wait3A_132, %dma_wait3A_133] : memref<7x16x1024xf32, #tpu.memory_space<vmem>> -> memref<1x16x1024xf32, #tpu.memory_space<vmem>>
    %dma_wait3A_135 = tpu.memref_squeeze %dma_wait3A_134 : memref<1x16x1024xf32, #tpu.memory_space<vmem>> -> memref<16x1024xf32, #tpu.memory_space<vmem>>
    %dma_wait3A_136 = arith.constant 0 : i32
    %dma_wait3A_137 = tpu.memref_slice %arg4[%select_n3A_44, %add3A_130, %dma_wait3A_136] : memref<4x4096x1024xf32, #tpu.memory_space<hbm>> -> memref<1x16x1024xf32, #tpu.memory_space<hbm>>
    %dma_wait3A_138 = tpu.memref_squeeze %dma_wait3A_137 : memref<1x16x1024xf32, #tpu.memory_space<hbm>> -> memref<16x1024xf32, #tpu.memory_space<hbm>>
    %dma_wait3A_139 = tpu.memref_slice %arg8[%dma_wait3A_131] : memref<7x!tpu.dma_semaphore, #tpu.memory_space<semaphore_mem>> -> memref<1x!tpu.dma_semaphore, #tpu.memory_space<semaphore_mem>>
    %dma_wait3A_140 = tpu.memref_squeeze %dma_wait3A_139 : memref<1x!tpu.dma_semaphore, #tpu.memory_space<semaphore_mem>> -> memref<!tpu.dma_semaphore, #tpu.memory_space<semaphore_mem>>
    %dma_wait3A_141 = arith.constant 0 : i32
    %dma_wait3A_142 = tpu.memref_slice %arg4[%select_n3A_44, %add3A_130, %dma_wait3A_141] : memref<4x4096x1024xf32, #tpu.memory_space<hbm>> -> memref<1x16x1024xf32, #tpu.memory_space<hbm>>
    %dma_wait3A_143 = tpu.memref_squeeze %dma_wait3A_142 : memref<1x16x1024xf32, #tpu.memory_space<hbm>> -> memref<16x1024xf32, #tpu.memory_space<hbm>>
    %dma_wait3A_144 = arith.constant 0 : i32
    %dma_wait3A_145 = arith.constant 0 : i32
    %dma_wait3A_146 = tpu.memref_slice %arg6[%dma_wait3A, %dma_wait3A_144, %dma_wait3A_145] : memref<7x16x1024xf32, #tpu.memory_space<vmem>> -> memref<1x16x1024xf32, #tpu.memory_space<vmem>>
    %dma_wait3A_147 = tpu.memref_squeeze %dma_wait3A_146 : memref<1x16x1024xf32, #tpu.memory_space<vmem>> -> memref<16x1024xf32, #tpu.memory_space<vmem>>
    tpu.wait_dma2 semaphore(%dma_wait3A_140 : memref<!tpu.dma_semaphore, #tpu.memory_space<semaphore_mem>>) src(%dma_wait3A_147 : memref<16x1024xf32, #tpu.memory_space<vmem>>) dst(%dma_wait3A_143 : memref<16x1024xf32, #tpu.memory_space<hbm>>)
    %add3A_148 = arith.constant 416 : i32
    %add3A_149 = arith.addi %rem3A_46, %add3A_148 : i32
    %dma_wait3A_150 = arith.constant 5 : i32
    %dma_wait3A_151 = arith.constant 5 : i32
    %dma_wait3A_152 = arith.constant 0 : i32
    %dma_wait3A_153 = arith.constant 0 : i32
    %dma_wait3A_154 = tpu.memref_slice %arg6[%dma_wait3A_150, %dma_wait3A_152, %dma_wait3A_153] : memref<7x16x1024xf32, #tpu.memory_space<vmem>> -> memref<1x16x1024xf32, #tpu.memory_space<vmem>>
    %dma_wait3A_155 = tpu.memref_squeeze %dma_wait3A_154 : memref<1x16x1024xf32, #tpu.memory_space<vmem>> -> memref<16x1024xf32, #tpu.memory_space<vmem>>
    %dma_wait3A_156 = arith.constant 0 : i32
    %dma_wait3A_157 = tpu.memref_slice %arg4[%select_n3A_44, %add3A_149, %dma_wait3A_156] : memref<4x4096x1024xf32, #tpu.memory_space<hbm>> -> memref<1x16x1024xf32, #tpu.memory_space<hbm>>
    %dma_wait3A_158 = tpu.memref_squeeze %dma_wait3A_157 : memref<1x16x1024xf32, #tpu.memory_space<hbm>> -> memref<16x1024xf32, #tpu.memory_space<hbm>>
    %dma_wait3A_159 = tpu.memref_slice %arg8[%dma_wait3A_151] : memref<7x!tpu.dma_semaphore, #tpu.memory_space<semaphore_mem>> -> memref<1x!tpu.dma_semaphore, #tpu.memory_space<semaphore_mem>>
    %dma_wait3A_160 = tpu.memref_squeeze %dma_wait3A_159 : memref<1x!tpu.dma_semaphore, #tpu.memory_space<semaphore_mem>> -> memref<!tpu.dma_semaphore, #tpu.memory_space<semaphore_mem>>
    %dma_wait3A_161 = arith.constant 0 : i32
    %dma_wait3A_162 = tpu.memref_slice %arg4[%select_n3A_44, %add3A_149, %dma_wait3A_161] : memref<4x4096x1024xf32, #tpu.memory_space<hbm>> -> memref<1x16x1024xf32, #tpu.memory_space<hbm>>
    %dma_wait3A_163 = tpu.memref_squeeze %dma_wait3A_162 : memref<1x16x1024xf32, #tpu.memory_space<hbm>> -> memref<16x1024xf32, #tpu.memory_space<hbm>>
    %dma_wait3A_164 = arith.constant 0 : i32
    %dma_wait3A_165 = arith.constant 0 : i32
    %dma_wait3A_166 = tpu.memref_slice %arg6[%dma_wait3A_150, %dma_wait3A_164, %dma_wait3A_165] : memref<7x16x1024xf32, #tpu.memory_space<vmem>> -> memref<1x16x1024xf32, #tpu.memory_space<vmem>>
    %dma_wait3A_167 = tpu.memref_squeeze %dma_wait3A_166 : memref<1x16x1024xf32, #tpu.memory_space<vmem>> -> memref<16x1024xf32, #tpu.memory_space<vmem>>
    tpu.wait_dma2 semaphore(%dma_wait3A_160 : memref<!tpu.dma_semaphore, #tpu.memory_space<semaphore_mem>>) src(%dma_wait3A_167 : memref<16x1024xf32, #tpu.memory_space<vmem>>) dst(%dma_wait3A_163 : memref<16x1024xf32, #tpu.memory_space<hbm>>)
    %add3A_168 = arith.constant 432 : i32
    %add3A_169 = arith.addi %rem3A_46, %add3A_168 : i32
    %dma_wait3A_170 = arith.constant 6 : i32
    %dma_wait3A_171 = arith.constant 6 : i32
    %dma_wait3A_172 = arith.constant 0 : i32
    %dma_wait3A_173 = arith.constant 0 : i32
    %dma_wait3A_174 = tpu.memref_slice %arg6[%dma_wait3A_170, %dma_wait3A_172, %dma_wait3A_173] : memref<7x16x1024xf32, #tpu.memory_space<vmem>> -> memref<1x16x1024xf32, #tpu.memory_space<vmem>>
    %dma_wait3A_175 = tpu.memref_squeeze %dma_wait3A_174 : memref<1x16x1024xf32, #tpu.memory_space<vmem>> -> memref<16x1024xf32, #tpu.memory_space<vmem>>
    %dma_wait3A_176 = arith.constant 0 : i32
    %dma_wait3A_177 = tpu.memref_slice %arg4[%select_n3A_44, %add3A_169, %dma_wait3A_176] : memref<4x4096x1024xf32, #tpu.memory_space<hbm>> -> memref<1x16x1024xf32, #tpu.memory_space<hbm>>
    %dma_wait3A_178 = tpu.memref_squeeze %dma_wait3A_177 : memref<1x16x1024xf32, #tpu.memory_space<hbm>> -> memref<16x1024xf32, #tpu.memory_space<hbm>>
    %dma_wait3A_179 = tpu.memref_slice %arg8[%dma_wait3A_171] : memref<7x!tpu.dma_semaphore, #tpu.memory_space<semaphore_mem>> -> memref<1x!tpu.dma_semaphore, #tpu.memory_space<semaphore_mem>>
    %dma_wait3A_180 = tpu.memref_squeeze %dma_wait3A_179 : memref<1x!tpu.dma_semaphore, #tpu.memory_space<semaphore_mem>> -> memref<!tpu.dma_semaphore, #tpu.memory_space<semaphore_mem>>
    %dma_wait3A_181 = arith.constant 0 : i32
    %dma_wait3A_182 = tpu.memref_slice %arg4[%select_n3A_44, %add3A_169, %dma_wait3A_181] : memref<4x4096x1024xf32, #tpu.memory_space<hbm>> -> memref<1x16x1024xf32, #tpu.memory_space<hbm>>
    %dma_wait3A_183 = tpu.memref_squeeze %dma_wait3A_182 : memref<1x16x1024xf32, #tpu.memory_space<hbm>> -> memref<16x1024xf32, #tpu.memory_space<hbm>>
    %dma_wait3A_184 = arith.constant 0 : i32
    %dma_wait3A_185 = arith.constant 0 : i32
    %dma_wait3A_186 = tpu.memref_slice %arg6[%dma_wait3A_170, %dma_wait3A_184, %dma_wait3A_185] : memref<7x16x1024xf32, #tpu.memory_space<vmem>> -> memref<1x16x1024xf32, #tpu.memory_space<vmem>>
    %dma_wait3A_187 = tpu.memref_squeeze %dma_wait3A_186 : memref<1x16x1024xf32, #tpu.memory_space<vmem>> -> memref<16x1024xf32, #tpu.memory_space<vmem>>
    tpu.wait_dma2 semaphore(%dma_wait3A_180 : memref<!tpu.dma_semaphore, #tpu.memory_space<semaphore_mem>>) src(%dma_wait3A_187 : memref<16x1024xf32, #tpu.memory_space<vmem>>) dst(%dma_wait3A_183 : memref<16x1024xf32, #tpu.memory_space<hbm>>)
    %add3A_188 = arith.constant 448 : i32
    %add3A_189 = arith.addi %rem3A_46, %add3A_188 : i32
    %dma_wait3A_190 = arith.constant 0 : i32
    %dma_wait3A_191 = arith.constant 0 : i32
    %dma_wait3A_192 = arith.constant 0 : i32
    %dma_wait3A_193 = arith.constant 0 : i32
    %dma_wait3A_194 = tpu.memref_slice %arg6[%dma_wait3A_190, %dma_wait3A_192, %dma_wait3A_193] : memref<7x16x1024xf32, #tpu.memory_space<vmem>> -> memref<1x16x1024xf32, #tpu.memory_space<vmem>>
    %dma_wait3A_195 = tpu.memref_squeeze %dma_wait3A_194 : memref<1x16x1024xf32, #tpu.memory_space<vmem>> -> memref<16x1024xf32, #tpu.memory_space<vmem>>
    %dma_wait3A_196 = arith.constant 0 : i32
    %dma_wait3A_197 = tpu.memref_slice %arg4[%select_n3A_44, %add3A_189, %dma_wait3A_196] : memref<4x4096x1024xf32, #tpu.memory_space<hbm>> -> memref<1x16x1024xf32, #tpu.memory_space<hbm>>
    %dma_wait3A_198 = tpu.memref_squeeze %dma_wait3A_197 : memref<1x16x1024xf32, #tpu.memory_space<hbm>> -> memref<16x1024xf32, #tpu.memory_space<hbm>>
    %dma_wait3A_199 = tpu.memref_slice %arg8[%dma_wait3A_191] : memref<7x!tpu.dma_semaphore, #tpu.memory_space<semaphore_mem>> -> memref<1x!tpu.dma_semaphore, #tpu.memory_space<semaphore_mem>>
    %dma_wait3A_200 = tpu.memref_squeeze %dma_wait3A_199 : memref<1x!tpu.dma_semaphore, #tpu.memory_space<semaphore_mem>> -> memref<!tpu.dma_semaphore, #tpu.memory_space<semaphore_mem>>
    %dma_wait3A_201 = arith.constant 0 : i32
    %dma_wait3A_202 = tpu.memref_slice %arg4[%select_n3A_44, %add3A_189, %dma_wait3A_201] : memref<4x4096x1024xf32, #tpu.memory_space<hbm>> -> memref<1x16x1024xf32, #tpu.memory_space<hbm>>
    %dma_wait3A_203 = tpu.memref_squeeze %dma_wait3A_202 : memref<1x16x1024xf32, #tpu.memory_space<hbm>> -> memref<16x1024xf32, #tpu.memory_space<hbm>>
    %dma_wait3A_204 = arith.constant 0 : i32
    %dma_wait3A_205 = arith.constant 0 : i32
    %dma_wait3A_206 = tpu.memref_slice %arg6[%dma_wait3A_190, %dma_wait3A_204, %dma_wait3A_205] : memref<7x16x1024xf32, #tpu.memory_space<vmem>> -> memref<1x16x1024xf32, #tpu.memory_space<vmem>>
    %dma_wait3A_207 = tpu.memref_squeeze %dma_wait3A_206 : memref<1x16x1024xf32, #tpu.memory_space<vmem>> -> memref<16x1024xf32, #tpu.memory_space<vmem>>
    tpu.wait_dma2 semaphore(%dma_wait3A_200 : memref<!tpu.dma_semaphore, #tpu.memory_space<semaphore_mem>>) src(%dma_wait3A_207 : memref<16x1024xf32, #tpu.memory_space<vmem>>) dst(%dma_wait3A_203 : memref<16x1024xf32, #tpu.memory_space<hbm>>)
    %add3A_208 = arith.constant 464 : i32
    %add3A_209 = arith.addi %rem3A_46, %add3A_208 : i32
    %dma_wait3A_210 = arith.constant 1 : i32
    %dma_wait3A_211 = arith.constant 1 : i32
    %dma_wait3A_212 = arith.constant 0 : i32
    %dma_wait3A_213 = arith.constant 0 : i32
    %dma_wait3A_214 = tpu.memref_slice %arg6[%dma_wait3A_210, %dma_wait3A_212, %dma_wait3A_213] : memref<7x16x1024xf32, #tpu.memory_space<vmem>> -> memref<1x16x1024xf32, #tpu.memory_space<vmem>>
    %dma_wait3A_215 = tpu.memref_squeeze %dma_wait3A_214 : memref<1x16x1024xf32, #tpu.memory_space<vmem>> -> memref<16x1024xf32, #tpu.memory_space<vmem>>
    %dma_wait3A_216 = arith.constant 0 : i32
    %dma_wait3A_217 = tpu.memref_slice %arg4[%select_n3A_44, %add3A_209, %dma_wait3A_216] : memref<4x4096x1024xf32, #tpu.memory_space<hbm>> -> memref<1x16x1024xf32, #tpu.memory_space<hbm>>
    %dma_wait3A_218 = tpu.memref_squeeze %dma_wait3A_217 : memref<1x16x1024xf32, #tpu.memory_space<hbm>> -> memref<16x1024xf32, #tpu.memory_space<hbm>>
    %dma_wait3A_219 = tpu.memref_slice %arg8[%dma_wait3A_211] : memref<7x!tpu.dma_semaphore, #tpu.memory_space<semaphore_mem>> -> memref<1x!tpu.dma_semaphore, #tpu.memory_space<semaphore_mem>>
    %dma_wait3A_220 = tpu.memref_squeeze %dma_wait3A_219 : memref<1x!tpu.dma_semaphore, #tpu.memory_space<semaphore_mem>> -> memref<!tpu.dma_semaphore, #tpu.memory_space<semaphore_mem>>
    %dma_wait3A_221 = arith.constant 0 : i32
    %dma_wait3A_222 = tpu.memref_slice %arg4[%select_n3A_44, %add3A_209, %dma_wait3A_221] : memref<4x4096x1024xf32, #tpu.memory_space<hbm>> -> memref<1x16x1024xf32, #tpu.memory_space<hbm>>
    %dma_wait3A_223 = tpu.memref_squeeze %dma_wait3A_222 : memref<1x16x1024xf32, #tpu.memory_space<hbm>> -> memref<16x1024xf32, #tpu.memory_space<hbm>>
    %dma_wait3A_224 = arith.constant 0 : i32
    %dma_wait3A_225 = arith.constant 0 : i32
    %dma_wait3A_226 = tpu.memref_slice %arg6[%dma_wait3A_210, %dma_wait3A_224, %dma_wait3A_225] : memref<7x16x1024xf32, #tpu.memory_space<vmem>> -> memref<1x16x1024xf32, #tpu.memory_space<vmem>>
    %dma_wait3A_227 = tpu.memref_squeeze %dma_wait3A_226 : memref<1x16x1024xf32, #tpu.memory_space<vmem>> -> memref<16x1024xf32, #tpu.memory_space<vmem>>
    tpu.wait_dma2 semaphore(%dma_wait3A_220 : memref<!tpu.dma_semaphore, #tpu.memory_space<semaphore_mem>>) src(%dma_wait3A_227 : memref<16x1024xf32, #tpu.memory_space<vmem>>) dst(%dma_wait3A_223 : memref<16x1024xf32, #tpu.memory_space<hbm>>)
    %add3A_228 = arith.constant 480 : i32
    %add3A_229 = arith.addi %rem3A_46, %add3A_228 : i32
    %dma_wait3A_230 = arith.constant 2 : i32
    %dma_wait3A_231 = arith.constant 2 : i32
    %dma_wait3A_232 = arith.constant 0 : i32
    %dma_wait3A_233 = arith.constant 0 : i32
    %dma_wait3A_234 = tpu.memref_slice %arg6[%dma_wait3A_230, %dma_wait3A_232, %dma_wait3A_233] : memref<7x16x1024xf32, #tpu.memory_space<vmem>> -> memref<1x16x1024xf32, #tpu.memory_space<vmem>>
    %dma_wait3A_235 = tpu.memref_squeeze %dma_wait3A_234 : memref<1x16x1024xf32, #tpu.memory_space<vmem>> -> memref<16x1024xf32, #tpu.memory_space<vmem>>
    %dma_wait3A_236 = arith.constant 0 : i32
    %dma_wait3A_237 = tpu.memref_slice %arg4[%select_n3A_44, %add3A_229, %dma_wait3A_236] : memref<4x4096x1024xf32, #tpu.memory_space<hbm>> -> memref<1x16x1024xf32, #tpu.memory_space<hbm>>
    %dma_wait3A_238 = tpu.memref_squeeze %dma_wait3A_237 : memref<1x16x1024xf32, #tpu.memory_space<hbm>> -> memref<16x1024xf32, #tpu.memory_space<hbm>>
    %dma_wait3A_239 = tpu.memref_slice %arg8[%dma_wait3A_231] : memref<7x!tpu.dma_semaphore, #tpu.memory_space<semaphore_mem>> -> memref<1x!tpu.dma_semaphore, #tpu.memory_space<semaphore_mem>>
    %dma_wait3A_240 = tpu.memref_squeeze %dma_wait3A_239 : memref<1x!tpu.dma_semaphore, #tpu.memory_space<semaphore_mem>> -> memref<!tpu.dma_semaphore, #tpu.memory_space<semaphore_mem>>
    %dma_wait3A_241 = arith.constant 0 : i32
    %dma_wait3A_242 = tpu.memref_slice %arg4[%select_n3A_44, %add3A_229, %dma_wait3A_241] : memref<4x4096x1024xf32, #tpu.memory_space<hbm>> -> memref<1x16x1024xf32, #tpu.memory_space<hbm>>
    %dma_wait3A_243 = tpu.memref_squeeze %dma_wait3A_242 : memref<1x16x1024xf32, #tpu.memory_space<hbm>> -> memref<16x1024xf32, #tpu.memory_space<hbm>>
    %dma_wait3A_244 = arith.constant 0 : i32
    %dma_wait3A_245 = arith.constant 0 : i32
    %dma_wait3A_246 = tpu.memref_slice %arg6[%dma_wait3A_230, %dma_wait3A_244, %dma_wait3A_245] : memref<7x16x1024xf32, #tpu.memory_space<vmem>> -> memref<1x16x1024xf32, #tpu.memory_space<vmem>>
    %dma_wait3A_247 = tpu.memref_squeeze %dma_wait3A_246 : memref<1x16x1024xf32, #tpu.memory_space<vmem>> -> memref<16x1024xf32, #tpu.memory_space<vmem>>
    tpu.wait_dma2 semaphore(%dma_wait3A_240 : memref<!tpu.dma_semaphore, #tpu.memory_space<semaphore_mem>>) src(%dma_wait3A_247 : memref<16x1024xf32, #tpu.memory_space<vmem>>) dst(%dma_wait3A_243 : memref<16x1024xf32, #tpu.memory_space<hbm>>)
    %add3A_248 = arith.constant 496 : i32
    %add3A_249 = arith.addi %rem3A_46, %add3A_248 : i32
    %dma_wait3A_250 = arith.constant 3 : i32
    %dma_wait3A_251 = arith.constant 3 : i32
    %dma_wait3A_252 = arith.constant 0 : i32
    %dma_wait3A_253 = arith.constant 0 : i32
    %dma_wait3A_254 = tpu.memref_slice %arg6[%dma_wait3A_250, %dma_wait3A_252, %dma_wait3A_253] : memref<7x16x1024xf32, #tpu.memory_space<vmem>> -> memref<1x16x1024xf32, #tpu.memory_space<vmem>>
    %dma_wait3A_255 = tpu.memref_squeeze %dma_wait3A_254 : memref<1x16x1024xf32, #tpu.memory_space<vmem>> -> memref<16x1024xf32, #tpu.memory_space<vmem>>
    %dma_wait3A_256 = arith.constant 0 : i32
    %dma_wait3A_257 = tpu.memref_slice %arg4[%select_n3A_44, %add3A_249, %dma_wait3A_256] : memref<4x4096x1024xf32, #tpu.memory_space<hbm>> -> memref<1x16x1024xf32, #tpu.memory_space<hbm>>
    %dma_wait3A_258 = tpu.memref_squeeze %dma_wait3A_257 : memref<1x16x1024xf32, #tpu.memory_space<hbm>> -> memref<16x1024xf32, #tpu.memory_space<hbm>>
    %dma_wait3A_259 = tpu.memref_slice %arg8[%dma_wait3A_251] : memref<7x!tpu.dma_semaphore, #tpu.memory_space<semaphore_mem>> -> memref<1x!tpu.dma_semaphore, #tpu.memory_space<semaphore_mem>>
    %dma_wait3A_260 = tpu.memref_squeeze %dma_wait3A_259 : memref<1x!tpu.dma_semaphore, #tpu.memory_space<semaphore_mem>> -> memref<!tpu.dma_semaphore, #tpu.memory_space<semaphore_mem>>
    %dma_wait3A_261 = arith.constant 0 : i32
    %dma_wait3A_262 = tpu.memref_slice %arg4[%select_n3A_44, %add3A_249, %dma_wait3A_261] : memref<4x4096x1024xf32, #tpu.memory_space<hbm>> -> memref<1x16x1024xf32, #tpu.memory_space<hbm>>
    %dma_wait3A_263 = tpu.memref_squeeze %dma_wait3A_262 : memref<1x16x1024xf32, #tpu.memory_space<hbm>> -> memref<16x1024xf32, #tpu.memory_space<hbm>>
    %dma_wait3A_264 = arith.constant 0 : i32
    %dma_wait3A_265 = arith.constant 0 : i32
    %dma_wait3A_266 = tpu.memref_slice %arg6[%dma_wait3A_250, %dma_wait3A_264, %dma_wait3A_265] : memref<7x16x1024xf32, #tpu.memory_space<vmem>> -> memref<1x16x1024xf32, #tpu.memory_space<vmem>>
    %dma_wait3A_267 = tpu.memref_squeeze %dma_wait3A_266 : memref<1x16x1024xf32, #tpu.memory_space<vmem>> -> memref<16x1024xf32, #tpu.memory_space<vmem>>
    tpu.wait_dma2 semaphore(%dma_wait3A_260 : memref<!tpu.dma_semaphore, #tpu.memory_space<semaphore_mem>>) src(%dma_wait3A_267 : memref<16x1024xf32, #tpu.memory_space<vmem>>) dst(%dma_wait3A_263 : memref<16x1024xf32, #tpu.memory_space<hbm>>)
    return
  }
}

</mosaic_0001>

<sc_bundles>
// kernel: kernel.3.cloned.1.call-start
scs
__scs_entry_jumppad:
0x0: {  	(pc) =	sbr.rel $0x88, $3  }
0x1: {  	(tag) =	ssettag $0x0;
	lr =	simm.s32 $0x1  }
0x2: {  	[smem:$0x3F9F] =	sst lr;
	_ =	strace $0xD0000000  }
0x3: {  	_ = 	snop  }
0x4: {  	_ = 	snop  }
0x5: {  	_ = 	snop  }
0x6: {  	_ = 	snop  }
0x7: {  	_ = 	snop  }
__scs_overlays_trampoline_lowered:
0x8: {  	[smem:$0x3FAE] =	sst s0  }
0x9: {  	[smem:$0x3FAF] =	sst s1  }
0xa: {  	[smem:$0x3FB0] =	sst s2  }
0xb: {  	[smem:$0x3FB1] =	sst s3  }
0xc: {  	[smem:$0x3FB2] =	sst s4  }
0xd: {  	[smem:$0x3FB3] =	sst s5  }
0xe: {  	[smem:$0x3FB4] =	sst s6  }
0xf: {  	[smem:$0x3FB5] =	sst s7  }
0x10: {  	[smem:$0x3FB6] =	sst s8  }
0x11: {  	[smem:$0x3FB7] =	sst s9;
	s0 =	simm.s32 @!p0 $0x0  }
0x12: {  	s1 =	sld [smem:$0x3F9D];
	s0 =	simm.s32 @p0 $0x1  }
0x13: {  	[smem:$0x3FB8] =	sst s0;
	s0 =	simm.s32 @!p1 $0x0  }
0x14: {  	s2 =	sld [smem:$0x3F9C];
	s0 =	simm.s32 @p1 $0x1  }
0x15: {  	[smem:$0x3FB9] =	sst s0;
	s0 =	simm.s32 @!p2 $0x0  }
0x16: {  	s3 =	sld [smem:$0x3FDB];
	s0 =	simm.s32 @p2 $0x1  }
0x17: {  	s4 =	simm.s32 $0x1BF5;
	[smem:$0x3FBB] =	sst s0  }
0x18: {  	s0 =	sld [smem:$0x3F9E];
	_ =	swait.ge [sflag:s4], $0x0  }
0x19: {  	s7 =	sld [smem:$0x3F9F]  }
0x1a: {  	s8 =	sadd.s32 $0xFFFFE003, lr  }
0x1b: {  	s9 =	sadd.s32 $0xFFFFFEF7, lr;
	s5 =	simm.s32 $0xFFFFFFFF;
	p2 =	slt.u32 s8, $0xFFFFF086  }
0x1c: {  	p1 =	slt.u32 s9, $0xF7A;
	s5 =	simm.s32 @!p2 $0x0  }
0x1d: {  	s5 =	simm.s32 @p1 $0x1;
	p0 =	seq.s32 s7, s2  }
0x1e: {  	s7 =	smul.u32 @!p0 $0xF7A, s2;
	p2 =	seq.s32 @!p0 s5, $0x0  }
0x1f: {  	s9 =	smul.u32 $0xF7A, s1;
	s8 =	simm.s32 @!p0 $0x1BF5;
	p2 =	por !p2, p0  }
0x20: {  	[sflag:s8] =	ssyncset.s32 @!p0 $0xFFFFF086;
	s6 =	sadd.s32 @!p0 s3, s7;
	s7 =	simm.s32 @!p0 $0x108  }
0x21: {  	s3 =	sadd.s32 s3, s9;
	s6 =	sadd.s32 @!p0 $0x88, s6;
	s7 =	simm.s32 @p2 $0x1082  }
0x22: {  	[simem:s7], [sflag:s8] =	dma.local @!p0 [hbm:s6], $0xF7A  }
0x23: {  	s9 =	sor.u32 $0xD0000000, s2;
	s6 =	simm.s32 $0x108;
	_ =	swait.ge @!p0 [sflag:s8], $0x0  }
0x24: {  	s3 =	sadd.s32 $0x88, s3;
	s6 =	simm.s32 @!p1 $0x1082;
	[sflag:s4] =	ssyncset.s32 $0xFFFFF086  }
0x25: {  	[simem:s6], [sflag:s4] =	dma.local [hbm:s3], $0xF7A  }
0x26: {  	[smem:$0x3F9F] =	sst s1;
	(tag) =	ssettag s2;
	_ =	strace s9  }
0x27: {  	s1 =	sld [smem:$0x3FAF]  }
0x28: {  	s2 =	sld [smem:$0x3FB0]  }
0x29: {  	s4 =	sld [smem:$0x3FB2]  }
0x2a: {  	p0 =	seq.s32 s5, $0x0;
	s5 =	sld [smem:$0x3FB3]  }
0x2b: {  	s6 =	sld [smem:$0x3FB4]  }
0x2c: {  	s7 =	sld [smem:$0x3FB5]  }
0x2d: {  	s3 =	simm.s32 $0x108;
	s8 =	sld [smem:$0x3FB6]  }
0x2e: {  	s3 =	simm.s32 @!p0 $0x1082;
	s9 =	sld [smem:$0x3FB7]  }
0x2f: {  	lr =	sadd.s32 s0, s3;
	s0 =	sld [smem:$0x3FAE]  }
0x30: {  	s3 =	sld [smem:$0x3FB1]  }
0x31: {  	[smem:$0x3FBA] =	sst s10  }
0x32: {  	s10 =	sld [smem:$0x3FB8];
	_ =	sdelay $0x3  }
0x33: {  	p0 =	seq.s32 s10, $0x1;
	s10 =	sld [smem:$0x3FBA];
	_ =	sdelay $0x3  }
0x34: {  	[smem:$0x3FBA] =	sst s10  }
0x35: {  	s10 =	sld [smem:$0x3FB9];
	_ =	sdelay $0x3  }
0x36: {  	p1 =	seq.s32 s10, $0x1;
	s10 =	sld [smem:$0x3FBA];
	_ =	sdelay $0x3  }
0x37: {  	[smem:$0x3FBA] =	sst s10  }
0x38: {  	s10 =	sld [smem:$0x3FBB]  }
0x39: {  	_ = 	snop;
	(pc) =	sbr.ind lr, $3  }
0x3a: {  	_ = 	snop  }
0x3b: {  	_ = 	snop  }
0x3c: {  	p2 =	seq.s32 s10, $0x1;
	s10 =	sld [smem:$0x3FBA]  }
0x3d: {  	_ =	shalt  }
0x3e: {  	_ =	shalt  }
0x3f: {  	_ =	shalt  }
0x40: {  	_ =	shalt  }
0x41: {  	_ =	shalt  }
0x42: {  	_ =	shalt  }
0x43: {  	_ =	shalt  }
0x44: {  	_ =	shalt  }
0x45: {  	_ =	shalt  }
0x46: {  	_ =	shalt  }
0x47: {  	_ =	shalt  }
0x48: {  	_ =	shalt  }
0x49: {  	_ =	shalt  }
0x4a: {  	_ =	shalt  }
0x4b: {  	_ =	shalt  }
0x4c: {  	_ =	shalt  }
0x4d: {  	_ =	shalt  }
0x4e: {  	_ =	shalt  }
0x4f: {  	_ =	shalt  }
0x50: {  	_ =	shalt  }
0x51: {  	_ =	shalt  }
0x52: {  	_ =	shalt  }
0x53: {  	_ =	shalt  }
0x54: {  	_ =	shalt  }
0x55: {  	_ =	shalt  }
0x56: {  	_ =	shalt  }
0x57: {  	_ =	shalt  }
0x58: {  	_ =	shalt  }
0x59: {  	_ =	shalt  }
0x5a: {  	_ =	shalt  }
0x5b: {  	_ =	shalt  }
0x5c: {  	_ =	shalt  }
0x5d: {  	_ =	shalt  }
0x5e: {  	_ =	shalt  }
0x5f: {  	_ =	shalt  }
0x60: {  	_ =	shalt  }
0x61: {  	_ =	shalt  }
0x62: {  	_ =	shalt  }
0x63: {  	_ =	shalt  }
0x64: {  	_ =	shalt  }
0x65: {  	_ =	shalt  }
0x66: {  	_ =	shalt  }
0x67: {  	_ =	shalt  }
0x68: {  	_ =	shalt  }
0x69: {  	_ =	shalt  }
0x6a: {  	_ =	shalt  }
0x6b: {  	_ =	shalt  }
0x6c: {  	_ =	shalt  }
0x6d: {  	_ =	shalt  }
0x6e: {  	_ =	shalt  }
0x6f: {  	_ =	shalt  }
0x70: {  	_ =	shalt  }
0x71: {  	_ =	shalt  }
0x72: {  	_ =	shalt  }
0x73: {  	_ =	shalt  }
0x74: {  	_ =	shalt  }
0x75: {  	_ =	shalt  }
0x76: {  	_ =	shalt  }
0x77: {  	_ =	shalt  }
0x78: {  	_ =	shalt  }
0x79: {  	_ =	shalt  }
0x7a: {  	_ =	shalt  }
0x7b: {  	_ =	shalt  }
0x7c: {  	_ =	shalt  }
0x7d: {  	_ =	shalt  }
0x7e: {  	_ =	shalt  }
0x7f: {  	_ =	shalt  }
0x80: {  	_ =	shalt  }
0x81: {  	_ =	shalt  }
0x82: {  	_ =	shalt  }
0x83: {  	_ =	shalt  }
0x84: {  	_ =	shalt  }
0x85: {  	_ =	shalt  }
0x86: {  	_ =	shalt  }
0x87: {  	_ =	shalt  }
.Lfunc_end0:
.L_simem_size_0:
called_computation_lowered:
.L_overlay_start_0:
0x88: {  	s2 =	sld [smem:$0x3FD9]  }
0x89: {  	s3 =	sld [smem:$0x3FFE];
	_ =	sdelay $0x1  }
0x8a: {  	s1 =	srdreg.scid  }
0x8b: {  	s0 =	sand.u32 $0x1, s1  }
0x8c: {  	s18 =	sshll.u32 s0, $0xA;
	s2 =	sadd.s32 s3, s2  }
0x8d: {  	s2 =	sadd.s32 s2, s18  }
0x8e: {  	[smem:$0x3FC6] =	sst s2  }
0x8f: {  	_ = 	snop  }
0x90: {  	s2 =	sld [smem:$0x3FC9]  }
0x91: {  	s19 =	sld [smem:$0x3FC8]  }
0x92: {  	s4 =	sld [smem:$0x3FD0];
	(tm) =	ssettm $0x1  }
0x93: {  	s5 =	sld [smem:$0x3FFB];
	_ =	sdelay $0x3  }
0x94: {  	_ =	strace s5  }
0x95: {  	s5 =	sld [smem:$0x3FFC];
	_ =	sdelay $0x3  }
0x96: {  	_ =	strace s5  }
0x97: {  	s5 =	sld [smem:$0x3FFD];
	_ =	sdelay $0x3  }
0x98: {  	_ =	strace s5  }
0x99: {  	_ =	strace $0x8FFFFFFF  }
0x9a: {  	s20 =	sld [smem:$0x3FDB];
	_ =	sdelay $0x1  }
0x9b: {  	s6 =	simm.s32 $_scs_section_size  }
0x9c: {  	s7 =	simm.s32 $_size__tile_overlayer_lowered;
	s8 =	simm.s32 $_tile_overlayer_lowered  }
0x9d: {  	s23 =	simm.s32 $0x1BFF;
	s22 =	sshll.u32 s8, $0x1;
	s5 =	sadd.s32 s6, s20  }
0x9e: {  	s9 =	simm.s32 $0x0;
	s21 =	sshll.u32 s7, $0x1;
	s7 =	sadd.s32 s22, s5  }
0x9f: {  	[timem:s9], [sflag:s23] =	dma.local [hbm:s7], s21  }
0xa0: {  	_ =	swait.ge [sflag:s23], s21  }
0xa1: {  	s6 =	ssub.s32 $0x0, s21;
	[sflag:s23] =	ssyncset.done $0x0  }
0xa2: {  	[sflag:s23] =	ssyncadd.s32 s6;
	_ =	sdelay $0x1  }
0xa3: {  	s24 =	simm.s32 $0x1B8B  }
0xa4: {  	_ =	swait.ge [sflag:s24], $0x1  }
0xa5: {  	[sflag:s24] =	ssyncset.done $0x0  }
0xa6: {  	s25 =	simm.s32 $0x1B8E;
	[sflag:s24] =	ssyncadd.s32 $0xFFFFFFFF  }
0xa7: {  	s26 =	simm.s32 $execute0_lowered;
	[smem:$0x3FD2] =	sst s25  }
0xa8: {  	s6 =	sshll.u32 s26, $0x1;
	_ =	strace $0x80000046;
	[dreg:$0x1] =	wrdreg $0xFFFFFFFF  }
0xa9: {  	s28 =	simm.s32 $_size_execute0_lowered;
	s5 =	sadd.s32 s5, s6;
	[dreg:$0x0] =	wrdreg $0x0  }
0xaa: {  	s6 =	sshll.u32 s28, $0x1;
	[dreg:$0x2] =	wrdreg s5  }
0xab: {  	[dreg:$0x3] =	wrdreg s6  }
0xac: {  	[dreg:$0x4] =	wrdreg $0xC0  }
0xad: {  	_ =	task [dreg:s9], $0x5FFFF  }
0xae: {  	[dreg:$0x1] =	wrdreg $0xFFFFFFFF  }
0xaf: {  	[dreg:$0x0] =	wrdreg $0x60  }
0xb0: {  	[dreg:$0x2] =	wrdreg s2  }
0xb1: {  	[dreg:$0x3] =	wrdreg s19  }
0xb2: {  	[dreg:$0x4] =	wrdreg s4  }
0xb3: {  	[dreg:$0x5] =	wrdreg $0x9  }
0xb4: {  	_ =	task.clear_ibuf [dreg:s9], $0x6FFFF;
	_ =	strace $0x90000046  }
0xb5: {  	s29 =	simm.s32 $0x9;
	_ =	strace $0x80000048  }
0xb6: {  	_ =	swait.ge [sflag:s29], $0x1  }
0xb7: {  	[sflag:s29] =	ssyncadd.s32 $0xFFFFFFFF  }
0xb8: {  	_ =	strace $0x90000048  }
0xb9: {  	_ =	sfence  }
0xba: {  	s30 =	sld [smem:$0x0];
	_ =	sdelay $0x2  }
0xbb: {  	s31 =	sshll.u32 s1, $0xD;
	s1 =	sshrl.u32 s1, $0x2  }
0xbc: {  	s3 =	sand.u32 $0x4000, s31;
	s1 =	sadd.s32 s1, s30  }
0xbd: {  	s0 =	sor.u32 s3, s0;
	s1 =	sshll.u32 s1, $0x11  }
0xbe: {  	s0 =	sor.u32 s1, s0  }
0xbf: {  	s0 =	sadd.s32 $0x8F2B, s0  }
0xc0: {  	[sflag:s0] =	ssyncadd.remote.s32 $0x1  }
0xc1: {  	_ =	sfence.sel $0xFFFF  }
0xc2: {  	[dreg:$0x0] =	wrdreg $0xFFFFFFFF;
	(pc) =	sbr.abs _section_cstart, $3  }
0xc3: {  	[dreg:$0x1] =	wrdreg $0xFFFFFFFF  }
0xc4: {  	_ =	task.clear_ibuf [dreg:s9], $0x2FFFF;
	_ =	strace $0x9FFFFFFF  }
0xc5: {  	(tm) =	ssettm $0x7FFFFFFF  }
tec
execute0_lowered:
.L_overlay_start_1:
0x0: {  	(tag) =	ssettag $0x1  }
0x1: {  	s1 =	rddreg [dreg:$0x0]  }
0x2: {  	s0 =	srdreg.scid;
	s2 =	rddreg [dreg:$0x1]  }
0x3: {  	s5 =	stileid.u32;
	s8 =	rddreg [dreg:$0x2]  }
0x4: {  	s11 =	simm.s32 $0x200;
	s12 =	simm.s32 $0xF;
	s17 =	simm.s32 $0x17A00  }
0x5: {  	s18 =	simm.s32 $0xC;
	s19 =	simm.s32 $0xD;
	s20 =	simm.s32 $0xE  }
0x6: {  	s21 =	simm.s32 $0x8;
	s22 =	simm.s32 $0x9;
	s23 =	simm.s32 $0xA  }
0x7: {  	s24 =	simm.s32 $0xB;
	s25 =	simm.s32 $0x0;
	s0 =	sand.u32 $0x1, s0  }
0x8: {  	s3 =	sshll.u32 s5, $0xA;
	s7 =	sshrl.u32 s5, $0x2;
	s6 =	sadd.s32 $0x200, s2  }
0x9: {  	s4 =	sshll.u32 s0, $0x9;
	s3 =	sand.u32 $0xC00, s3;
	s5 =	sshll.u32 s7, $0x7  }
0xa: {  	s0 =	ssub.s32 $0x2, s0;
	s31 =	sshll.u32 s7, $0x13;
	s9 =	sor.u32 s4, s3  }
0xb: {  	s7 =	sadd.s32 $0x300, s2;
	s3 =	simm.s32 $0x0;
	s4 =	sshll.u32 s9, $0x2  }
0xc: {  	s30 =	sshrl.u32 s0, $0x1;
	[smem:$0x7FF] =	sst s3;
	s4 =	sor.u32 s5, s4  }
0xd: {  	v2 =	vlaneseq.u32;
	s0 =	ssub.s32 s0, s30;
	s9 =	sshll.u32 s9, $0x7;
	s4 =	sshrl.u32 s4, $0x3  }
0xe: {  	vm0 =	vmmov $0xffff;
	v1 =	vshrl.u32 v2, $0x3;
	_ =	strace $0x80000047;
	s4 =	sadd.s32 s1, s4;
	s1 =	sadd.s32 s8, s31  }
0xf: {  	v0 =	vand.u32 $0x7, v2;
	v2 =	vor.u32 $0x8, v2;
	v1 =	vmul.u32 $0x8, v1;
	s5 =	sadd.s32 $0x100, s2;
	s8 =	sadd.s32 s9, s1;
	s9 =	smax.u32 s0, $0x1  }
.LBB2_1:
0x10: {  	s0 =	simm.s32 $0x80  }
0x11: {  	[tilespmem:s3], [sflag:$0xF] =	stream.strided.gather [hbm4b:s4+s0], $0x200, s11, s0, $0x38;
	[tilespmem:$0x1C200] =	vst v63  }
0x12: {  	_ =	swait.ge [sflag:s12], $0x200  }
0x13: {  	[sflag:s12] =	ssyncset.done $0x0  }
0x14: {  	[sflag:s12] =	ssyncadd.s32 $0xFFFFFE00  }
0x15: {  	v3 =	vld [tilespmem:$0x0];
	_ =	sdelay $0x4  }
0x16: {  	v4 =	vshll.u32 v3, $0x3  }
0x17: {  	v3 =	vand.u32 $0x7, v3;
	v4 =	vand.u32 $0xFFFFFFC0, v4  }
0x18: {  	v3 =	vor.u32 v3, v4  }
0x19: {  	v4 =	vperm.xlane v3, v0;
	_ =	sdelay $0x1  }
0x1a: {  	v4 =	vadd.s32 v1, v4;
	_ =	sdelay $0x4  }
0x1b: {  	[tilespmem:s11], [sflag:$0x1] =	stream.indirect_vreg.gather [hbm4b:s2+s3], $0x80, v4, vm0, $0xb8;
	[tilespmem:$0x1C200] =	vst v63  }
0x1c: {  	s30 =	simm.s32 $0xA00;
	v3 =	vperm.xlane v3, v2  }
0x1d: {  	[tilespmem:s30], [sflag:$0x1] =	stream.indirect_vreg.gather [hbm4b:s5+s3], $0x80, v4, vm0, $0xb8;
	[tilespmem:$0x1C200] =	vst v63  }
0x1e: {  	s31 =	simm.s32 $0x1200;
	v3 =	vadd.s32 v1, v3  }
0x1f: {  	[tilespmem:s31], [sflag:$0x1] =	stream.indirect_vreg.gather [hbm4b:s6+s3], $0x80, v4, vm0, $0xb8;
	[tilespmem:$0x1C200] =	vst v63  }
0x20: {  	s1 =	simm.s32 $0x1A00  }
0x21: {  	[tilespmem:s1], [sflag:$0x1] =	stream.indirect_vreg.gather [hbm4b:s7+s3], $0x80, v4, vm0, $0xb8;
	[tilespmem:$0x1C200] =	vst v63  }
0x22: {  	s10 =	simm.s32 $0x2200  }
0x23: {  	[tilespmem:s10], [sflag:$0x1] =	stream.indirect_vreg.gather [hbm4b:s2+s3], $0x80, v3, vm0, $0xb8;
	[tilespmem:$0x1C200] =	vst v63  }
0x24: {  	s13 =	simm.s32 $0x2A00  }
0x25: {  	[tilespmem:s13], [sflag:$0x1] =	stream.indirect_vreg.gather [hbm4b:s5+s3], $0x80, v3, vm0, $0xb8;
	[tilespmem:$0x1C200] =	vst v63  }
0x26: {  	s14 =	simm.s32 $0x3200  }
0x27: {  	[tilespmem:s14], [sflag:$0x1] =	stream.indirect_vreg.gather [hbm4b:s6+s3], $0x80, v3, vm0, $0xb8;
	[tilespmem:$0x1C200] =	vst v63  }
0x28: {  	s15 =	simm.s32 $0x3A00  }
0x29: {  	[tilespmem:s15], [sflag:$0x1] =	stream.indirect_vreg.gather [hbm4b:s7+s3], $0x80, v3, vm0, $0xb8;
	[tilespmem:$0x1C200] =	vst v63  }
0x2a: {  	v3 =	vld [tilespmem:$0x10];
	_ =	sdelay $0x4  }
0x2b: {  	v59 =	vshll.u32 v3, $0x3  }
0x2c: {  	v3 =	vand.u32 $0x7, v3;
	v4 =	vand.u32 $0xFFFFFFC0, v59  }
0x2d: {  	v3 =	vor.u32 v3, v4  }
0x2e: {  	v4 =	vperm.xlane v3, v0;
	_ =	sdelay $0x1  }
0x2f: {  	v4 =	vadd.s32 v1, v4;
	_ =	sdelay $0x3  }
0x30: {  	s16 =	simm.s32 $0x4200  }
0x31: {  	[tilespmem:s16], [sflag:$0x2] =	stream.indirect_vreg.gather [hbm4b:s2+s3], $0x80, v4, vm0, $0xb8;
	[tilespmem:$0x1C200] =	vst v63  }
0x32: {  	s26 =	simm.s32 $0x4A00;
	v3 =	vperm.xlane v3, v2  }
0x33: {  	[tilespmem:s26], [sflag:$0x2] =	stream.indirect_vreg.gather [hbm4b:s5+s3], $0x80, v4, vm0, $0xb8;
	[tilespmem:$0x1C200] =	vst v63  }
0x34: {  	s28 =	simm.s32 $0x5200;
	v3 =	vadd.s32 v1, v3  }
0x35: {  	[tilespmem:s28], [sflag:$0x2] =	stream.indirect_vreg.gather [hbm4b:s6+s3], $0x80, v4, vm0, $0xb8;
	[tilespmem:$0x1C200] =	vst v63  }
0x36: {  	s29 =	simm.s32 $0x5A00  }
0x37: {  	[tilespmem:s29], [sflag:$0x2] =	stream.indirect_vreg.gather [hbm4b:s7+s3], $0x80, v4, vm0, $0xb8;
	[tilespmem:$0x1C200] =	vst v63  }
0x38: {  	s30 =	simm.s32 $0x6200  }
0x39: {  	[tilespmem:s30], [sflag:$0x2] =	stream.indirect_vreg.gather [hbm4b:s2+s3], $0x80, v3, vm0, $0xb8;
	[tilespmem:$0x1C200] =	vst v63  }
0x3a: {  	s31 =	simm.s32 $0x6A00  }
0x3b: {  	[tilespmem:s31], [sflag:$0x2] =	stream.indirect_vreg.gather [hbm4b:s5+s3], $0x80, v3, vm0, $0xb8;
	[tilespmem:$0x1C200] =	vst v63  }
0x3c: {  	s1 =	simm.s32 $0x7200  }
0x3d: {  	[tilespmem:s1], [sflag:$0x2] =	stream.indirect_vreg.gather [hbm4b:s6+s3], $0x80, v3, vm0, $0xb8;
	[tilespmem:$0x1C200] =	vst v63  }
0x3e: {  	s10 =	simm.s32 $0x7A00  }
0x3f: {  	[tilespmem:s10], [sflag:$0x2] =	stream.indirect_vreg.gather [hbm4b:s7+s3], $0x80, v3, vm0, $0xb8;
	[tilespmem:$0x1C200] =	vst v63  }
0x40: {  	v3 =	vld [tilespmem:$0x20];
	_ =	sdelay $0x4  }
0x41: {  	v60 =	vshll.u32 v3, $0x3  }
0x42: {  	v3 =	vand.u32 $0x7, v3;
	v4 =	vand.u32 $0xFFFFFFC0, v60  }
0x43: {  	v3 =	vor.u32 v3, v4  }
0x44: {  	v4 =	vperm.xlane v3, v0;
	_ =	sdelay $0x1  }
0x45: {  	v4 =	vadd.s32 v1, v4;
	_ =	sdelay $0x3  }
0x46: {  	s13 =	simm.s32 $0x8200  }
0x47: {  	[tilespmem:s13], [sflag:$0x3] =	stream.indirect_vreg.gather [hbm4b:s2+s3], $0x80, v4, vm0, $0xb8;
	[tilespmem:$0x1C200] =	vst v63  }
0x48: {  	s14 =	simm.s32 $0x8A00;
	v3 =	vperm.xlane v3, v2  }
0x49: {  	[tilespmem:s14], [sflag:$0x3] =	stream.indirect_vreg.gather [hbm4b:s5+s3], $0x80, v4, vm0, $0xb8;
	[tilespmem:$0x1C200] =	vst v63  }
0x4a: {  	s15 =	simm.s32 $0x9200;
	v3 =	vadd.s32 v1, v3  }
0x4b: {  	[tilespmem:s15], [sflag:$0x3] =	stream.indirect_vreg.gather [hbm4b:s6+s3], $0x80, v4, vm0, $0xb8;
	[tilespmem:$0x1C200] =	vst v63  }
0x4c: {  	s16 =	simm.s32 $0x9A00  }
0x4d: {  	[tilespmem:s16], [sflag:$0x3] =	stream.indirect_vreg.gather [hbm4b:s7+s3], $0x80, v4, vm0, $0xb8;
	[tilespmem:$0x1C200] =	vst v63  }
0x4e: {  	s26 =	simm.s32 $0xA200  }
0x4f: {  	[tilespmem:s26], [sflag:$0x3] =	stream.indirect_vreg.gather [hbm4b:s2+s3], $0x80, v3, vm0, $0xb8;
	[tilespmem:$0x1C200] =	vst v63  }
0x50: {  	s28 =	simm.s32 $0xAA00  }
0x51: {  	[tilespmem:s28], [sflag:$0x3] =	stream.indirect_vreg.gather [hbm4b:s5+s3], $0x80, v3, vm0, $0xb8;
	[tilespmem:$0x1C200] =	vst v63  }
0x52: {  	s29 =	simm.s32 $0xB200  }
0x53: {  	[tilespmem:s29], [sflag:$0x3] =	stream.indirect_vreg.gather [hbm4b:s6+s3], $0x80, v3, vm0, $0xb8;
	[tilespmem:$0x1C200] =	vst v63  }
0x54: {  	s30 =	simm.s32 $0xBA00  }
0x55: {  	[tilespmem:s30], [sflag:$0x3] =	stream.indirect_vreg.gather [hbm4b:s7+s3], $0x80, v3, vm0, $0xb8;
	[tilespmem:$0x1C200] =	vst v63  }
0x56: {  	v3 =	vld [tilespmem:$0x30];
	_ =	sdelay $0x4  }
0x57: {  	v61 =	vshll.u32 v3, $0x3  }
0x58: {  	v3 =	vand.u32 $0x7, v3;
	v4 =	vand.u32 $0xFFFFFFC0, v61  }
0x59: {  	v3 =	vor.u32 v3, v4  }
0x5a: {  	v4 =	vperm.xlane v3, v0;
	_ =	sdelay $0x1  }
0x5b: {  	v4 =	vadd.s32 v1, v4;
	_ =	sdelay $0x3  }
0x5c: {  	s31 =	simm.s32 $0xC200  }
0x5d: {  	[tilespmem:s31], [sflag:$0x4] =	stream.indirect_vreg.gather [hbm4b:s2+s3], $0x80, v4, vm0, $0xb8;
	[tilespmem:$0x1C200] =	vst v63  }
0x5e: {  	s1 =	simm.s32 $0xCA00;
	v3 =	vperm.xlane v3, v2  }
0x5f: {  	[tilespmem:s1], [sflag:$0x4] =	stream.indirect_vreg.gather [hbm4b:s5+s3], $0x80, v4, vm0, $0xb8;
	[tilespmem:$0x1C200] =	vst v63  }
0x60: {  	s10 =	simm.s32 $0xD200;
	v3 =	vadd.s32 v1, v3  }
0x61: {  	[tilespmem:s10], [sflag:$0x4] =	stream.indirect_vreg.gather [hbm4b:s6+s3], $0x80, v4, vm0, $0xb8;
	[tilespmem:$0x1C200] =	vst v63  }
0x62: {  	s13 =	simm.s32 $0xDA00  }
0x63: {  	[tilespmem:s13], [sflag:$0x4] =	stream.indirect_vreg.gather [hbm4b:s7+s3], $0x80, v4, vm0, $0xb8;
	[tilespmem:$0x1C200] =	vst v63  }
0x64: {  	s14 =	simm.s32 $0xE200  }
0x65: {  	[tilespmem:s14], [sflag:$0x4] =	stream.indirect_vreg.gather [hbm4b:s2+s3], $0x80, v3, vm0, $0xb8;
	[tilespmem:$0x1C200] =	vst v63  }
0x66: {  	s15 =	simm.s32 $0xEA00  }
0x67: {  	[tilespmem:s15], [sflag:$0x4] =	stream.indirect_vreg.gather [hbm4b:s5+s3], $0x80, v3, vm0, $0xb8;
	[tilespmem:$0x1C200] =	vst v63  }
0x68: {  	s16 =	simm.s32 $0xF200  }
0x69: {  	[tilespmem:s16], [sflag:$0x4] =	stream.indirect_vreg.gather [hbm4b:s6+s3], $0x80, v3, vm0, $0xb8;
	[tilespmem:$0x1C200] =	vst v63  }
0x6a: {  	s26 =	simm.s32 $0xFA00  }
0x6b: {  	[tilespmem:s26], [sflag:$0x4] =	stream.indirect_vreg.gather [hbm4b:s7+s3], $0x80, v3, vm0, $0xb8;
	[tilespmem:$0x1C200] =	vst v63  }
0x6c: {  	v3 =	vld [tilespmem:$0x40];
	_ =	sdelay $0x4  }
0x6d: {  	v62 =	vshll.u32 v3, $0x3  }
0x6e: {  	v3 =	vand.u32 $0x7, v3;
	v4 =	vand.u32 $0xFFFFFFC0, v62  }
0x6f: {  	v3 =	vor.u32 v3, v4  }
0x70: {  	v4 =	vperm.xlane v3, v0;
	_ =	sdelay $0x1  }
0x71: {  	v4 =	vadd.s32 v1, v4;
	_ =	sdelay $0x3  }
0x72: {  	s28 =	simm.s32 $0x10200  }
0x73: {  	[tilespmem:s28], [sflag:$0x5] =	stream.indirect_vreg.gather [hbm4b:s2+s3], $0x80, v4, vm0, $0xb8;
	[tilespmem:$0x1C200] =	vst v63  }
0x74: {  	s29 =	simm.s32 $0x10A00;
	v3 =	vperm.xlane v3, v2  }
0x75: {  	[tilespmem:s29], [sflag:$0x5] =	stream.indirect_vreg.gather [hbm4b:s5+s3], $0x80, v4, vm0, $0xb8;
	[tilespmem:$0x1C200] =	vst v63  }
0x76: {  	s30 =	simm.s32 $0x11200;
	v3 =	vadd.s32 v1, v3  }
0x77: {  	[tilespmem:s30], [sflag:$0x5] =	stream.indirect_vreg.gather [hbm4b:s6+s3], $0x80, v4, vm0, $0xb8;
	[tilespmem:$0x1C200] =	vst v63  }
0x78: {  	s31 =	simm.s32 $0x11A00  }
0x79: {  	[tilespmem:s31], [sflag:$0x5] =	stream.indirect_vreg.gather [hbm4b:s7+s3], $0x80, v4, vm0, $0xb8;
	[tilespmem:$0x1C200] =	vst v63  }
0x7a: {  	s1 =	simm.s32 $0x12200  }
0x7b: {  	[tilespmem:s1], [sflag:$0x5] =	stream.indirect_vreg.gather [hbm4b:s2+s3], $0x80, v3, vm0, $0xb8;
	[tilespmem:$0x1C200] =	vst v63  }
0x7c: {  	s10 =	simm.s32 $0x12A00  }
0x7d: {  	[tilespmem:s10], [sflag:$0x5] =	stream.indirect_vreg.gather [hbm4b:s5+s3], $0x80, v3, vm0, $0xb8;
	[tilespmem:$0x1C200] =	vst v63  }
0x7e: {  	s13 =	simm.s32 $0x13200  }
0x7f: {  	[tilespmem:s13], [sflag:$0x5] =	stream.indirect_vreg.gather [hbm4b:s6+s3], $0x80, v3, vm0, $0xb8;
	[tilespmem:$0x1C200] =	vst v63  }
0x80: {  	s14 =	simm.s32 $0x13A00  }
0x81: {  	[tilespmem:s14], [sflag:$0x5] =	stream.indirect_vreg.gather [hbm4b:s7+s3], $0x80, v3, vm0, $0xb8;
	[tilespmem:$0x1C200] =	vst v63  }
0x82: {  	v3 =	vld [tilespmem:$0x50];
	_ =	sdelay $0x4  }
0x83: {  	v63 =	vshll.u32 v3, $0x3  }
0x84: {  	v3 =	vand.u32 $0x7, v3;
	v4 =	vand.u32 $0xFFFFFFC0, v63  }
0x85: {  	v3 =	vor.u32 v3, v4  }
0x86: {  	v4 =	vperm.xlane v3, v0;
	_ =	sdelay $0x1  }
0x87: {  	v4 =	vadd.s32 v1, v4;
	_ =	sdelay $0x3  }
0x88: {  	s15 =	simm.s32 $0x14200  }
0x89: {  	[tilespmem:s15], [sflag:$0x6] =	stream.indirect_vreg.gather [hbm4b:s2+s3], $0x80, v4, vm0, $0xb8;
	[tilespmem:$0x1C200] =	vst v63  }
0x8a: {  	s16 =	simm.s32 $0x14A00;
	v3 =	vperm.xlane v3, v2  }
0x8b: {  	[tilespmem:s16], [sflag:$0x6] =	stream.indirect_vreg.gather [hbm4b:s5+s3], $0x80, v4, vm0, $0xb8;
	[tilespmem:$0x1C200] =	vst v63  }
0x8c: {  	s26 =	simm.s32 $0x15200;
	v3 =	vadd.s32 v1, v3  }
0x8d: {  	[tilespmem:s26], [sflag:$0x6] =	stream.indirect_vreg.gather [hbm4b:s6+s3], $0x80, v4, vm0, $0xb8;
	[tilespmem:$0x1C200] =	vst v63  }
0x8e: {  	s28 =	simm.s32 $0x15A00  }
0x8f: {  	[tilespmem:s28], [sflag:$0x6] =	stream.indirect_vreg.gather [hbm4b:s7+s3], $0x80, v4, vm0, $0xb8;
	[tilespmem:$0x1C200] =	vst v63  }
0x90: {  	s29 =	simm.s32 $0x16200  }
0x91: {  	[tilespmem:s29], [sflag:$0x6] =	stream.indirect_vreg.gather [hbm4b:s2+s3], $0x80, v3, vm0, $0xb8;
	[tilespmem:$0x1C200] =	vst v63  }
0x92: {  	s30 =	simm.s32 $0x16A00  }
0x93: {  	[tilespmem:s30], [sflag:$0x6] =	stream.indirect_vreg.gather [hbm4b:s5+s3], $0x80, v3, vm0, $0xb8;
	[tilespmem:$0x1C200] =	vst v63  }
0x94: {  	s31 =	simm.s32 $0x17200  }
0x95: {  	[tilespmem:s31], [sflag:$0x6] =	stream.indirect_vreg.gather [hbm4b:s6+s3], $0x80, v3, vm0, $0xb8;
	[tilespmem:$0x1C200] =	vst v63  }
0x96: {  	s26 =	simm.s32 $0x0  }
0x97: {  	[tilespmem:s17], [sflag:$0x6] =	stream.indirect_vreg.gather [hbm4b:s7+s3], $0x80, v3, vm0, $0xb8;
	[tilespmem:$0x1C200] =	vst v63  }
.LBB2_2:
0x98: {  	s0 =	sadd.s32 $0x6, s26;
	p0 =	sgt.u32 s26, $0x19  }
0x99: {  	s1 =	smul.u32 @!p0 $0x25, s0;
	_ =	sdelay $0x1  }
0x9a: {  	s1 =	sshrl.u32 @!p0 s1, $0x8  }
0x9b: {  	s10 =	ssub.s32 @!p0 s0, s1  }
0x9c: {  	s10 =	sand.u32 @!p0 $0xFE, s10  }
0x9d: {  	s10 =	sshrl.u32 @!p0 s10, $0x1  }
0x9e: {  	s1 =	sadd.s32 @!p0 s1, s10  }
0x9f: {  	s1 =	sand.u32 @!p0 $0xFC, s1  }
0xa0: {  	s1 =	sshrl.u32 @!p0 s1, $0x2  }
0xa1: {  	s1 =	smul.u32 @!p0 $0x7, s1;
	_ =	sdelay $0x1  }
0xa2: {  	p1 =	seq.s32 @!p0 s26, $0x0;
	s1 =	ssub.s32 @!p0 s0, s1  }
0xa3: {  	p1 =	por p1, p0;
	s1 =	sand.u32 @!p0 $0xFF, s1  }
0xa4: {  	s10 =	sadd.s32 @!p1 $0x8, s1  }
0xa5: {  	_ =	swait.ge @!p1 [sflag:s10], $0x4000  }
0xa6: {  	s0 =	sshll.u32 @!p0 s0, $0x4;
	[sflag:s10] =	ssyncset.done @!p1 $0x0  }
0xa7: {  	s0 =	sand.u32 @!p0 $0x3FFFFFF0, s0;
	[sflag:s10] =	ssyncadd.s32 @!p1 $0xFFFFC000  }
0xa8: {  	v3 =	vld @!p0 [tilespmem:s0+$0x0];
	_ =	sdelay $0x4  }
0xa9: {  	v4 =	vshll.u32 @!p0 v3, $0x3  }
0xaa: {  	v5 =	vlaneseq.u32 @!p0;
	v3 =	vand.u32 @!p0 $0x7, v3;
	v4 =	vand.u32 @!p0 $0xFFFFFFC0, v4  }
0xab: {  	v6 =	vshrl.u32 @!p0 v5, $0x3;
	v3 =	vor.u32 @!p0 v3, v4;
	v4 =	vand.u32 @!p0 $0x7, v5  }
0xac: {  	v6 =	vmul.u32 @!p0 $0x8, v6;
	v4 =	vperm.xlane @!p0 v3, v4;
	_ =	sdelay $0x1  }
0xad: {  	v4 =	vadd.s32 @!p0 v6, v4;
	_ =	sdelay $0x2  }
0xae: {  	s0 =	sshll.u32 @!p0 s1, $0xE  }
0xaf: {  	vm1 =	vmmov @!p0 $0xffff;
	s13 =	simm.s32 @!p0 $0x0;
	s1 =	sadd.s32 @!p0 $0x1, s1;
	s10 =	sor.u32 @!p0 $0x200, s0  }
0xb0: {  	v5 =	vor.u32 @!p0 $0x8, v5;
	[tilespmem:s10], [sflag:s1] =	stream.indirect_vreg.gather @!p0 [hbm4b:s2+s13], $0x80, v4, vm1, $0xb8;
	[tilespmem:$0x1C200] =	vst v63  }
0xb1: {  	v3 =	vperm.xlane @!p0 v3, v5;
	s10 =	sor.u32 @!p0 $0xA00, s0  }
0xb2: {  	[tilespmem:s10], [sflag:s1] =	stream.indirect_vreg.gather @!p0 [hbm4b:s5+s13], $0x80, v4, vm1, $0xb8;
	[tilespmem:$0x1C200] =	vst v63  }
0xb3: {  	s28 =	smul.u32 $0x25, s26;
	v3 =	vadd.s32 @!p0 v6, v3;
	s10 =	sor.u32 @!p0 $0x1200, s0  }
0xb4: {  	[tilespmem:s10], [sflag:s1] =	stream.indirect_vreg.gather @!p0 [hbm4b:s6+s13], $0x80, v4, vm1, $0xb8;
	[tilespmem:$0x1C200] =	vst v63  }
0xb5: {  	s16 =	sshrl.u32 s28, $0x8;
	s10 =	sor.u32 @!p0 $0x1A00, s0  }
0xb6: {  	[tilespmem:s10], [sflag:s1] =	stream.indirect_vreg.gather @!p0 [hbm4b:s7+s13], $0x80, v4, vm1, $0xb8;
	[tilespmem:$0x1C200] =	vst v63  }
0xb7: {  	s28 =	ssub.s32 s26, s16;
	s10 =	sor.u32 @!p0 $0x2200, s0  }
0xb8: {  	[tilespmem:s10], [sflag:s1] =	stream.indirect_vreg.gather @!p0 [hbm4b:s2+s13], $0x80, v3, vm1, $0xb8;
	[tilespmem:$0x1C200] =	vst v63  }
0xb9: {  	s28 =	sand.u32 $0xFE, s28;
	s10 =	sor.u32 @!p0 $0x2A00, s0  }
0xba: {  	[tilespmem:s10], [sflag:s1] =	stream.indirect_vreg.gather @!p0 [hbm4b:s5+s13], $0x80, v3, vm1, $0xb8;
	[tilespmem:$0x1C200] =	vst v63  }
0xbb: {  	s28 =	sshrl.u32 s28, $0x1;
	s10 =	sor.u32 @!p0 $0x3200, s0  }
0xbc: {  	[tilespmem:s10], [sflag:s1] =	stream.indirect_vreg.gather @!p0 [hbm4b:s6+s13], $0x80, v3, vm1, $0xb8;
	[tilespmem:$0x1C200] =	vst v63  }
0xbd: {  	s10 =	sadd.s32 s16, s28  }
0xbe: {  	s10 =	sand.u32 $0xFC, s10  }
0xbf: {  	s10 =	sshrl.u32 s10, $0x2  }
0xc0: {  	s0 =	sor.u32 @!p0 $0x3A00, s0;
	s10 =	smul.u32 $0x7, s10  }
0xc1: {  	[tilespmem:s0], [sflag:s1] =	stream.indirect_vreg.gather @!p0 [hbm4b:s7+s13], $0x80, v3, vm1, $0xb8;
	[tilespmem:$0x1C200] =	vst v63  }
0xc2: {  	s10 =	ssub.s32 s26, s10  }
0xc3: {  	s28 =	sand.u32 $0xFF, s10  }
0xc4: {  	s13 =	simm.s32 $0x0;
	s0 =	sshll.u32 s28, $0xE  }
0xc5: {  	s15 =	sand.u32 $0x2000, s13;
	s14 =	sadd.s32 $0x1, s28;
	s29 =	sor.u32 $0x200, s0  }
0xc6: {  	s16 =	sand.u32 $0x1C00, s13;
	_ =	swait.ge [sflag:s14], $0x4000;
	s10 =	sadd.s32 s15, s29  }
0xc7: {  	s1 =	sand.u32 $0x380, s13;
	[sflag:s14] =	ssyncset.done $0x0;
	s10 =	sadd.s32 s16, s10  }
0xc8: {  	[sflag:s14] =	ssyncadd.s32 $0xFFFFC000;
	s30 =	sadd.s32 s1, s10  }
0xc9: {  	v3 =	vld [tilespmem:s30+$0x70]  }
0xca: {  	v4 =	vld [tilespmem:s30+$0x0]  }
0xcb: {  	v5 =	vld [tilespmem:s30+$0x10]  }
0xcc: {  	s14 =	simm.s32 $0x80;
	v8 =	vld [tilespmem:s30+$0x30]  }
0xcd: {  	s0 =	sand.u32 $0x2000, s14;
	s1 =	simm.s32 $0x400;
	v6 =	vld [tilespmem:s30+$0x20]  }
0xce: {  	s15 =	simm.s32 $0x10;
	s16 =	sand.u32 $0x1C00, s1;
	s0 =	sadd.s32 s0, s29;
	v9 =	vld [tilespmem:s30+$0x40];
	v3 =	vmul.f32 $3.200000000e+01, v3  }
0xcf: {  	s10 =	sand.u32 $0x380, s15;
	v10 =	vld [tilespmem:s30+$0x50];
	s0 =	sadd.s32 s16, s0;
	v4 =	vmul.f32 $3.200000000e+01, v4  }
0xd0: {  	v7 =	vld [tilespmem:s30+$0x60];
	s31 =	sadd.s32 s10, s0;
	v11 =	vmul.f32 $3.200000000e+01, v5;
	[tilespmem:s30+$0x70] =	vst v3  }
0xd1: {  	v5 =	vld [tilespmem:s31+$0x70];
	v8 =	vmul.f32 $3.200000000e+01, v8;
	[tilespmem:s30+$0x0] =	vst v4  }
0xd2: {  	v3 =	vmul.f32 $3.200000000e+01, v6;
	v6 =	vld [tilespmem:s31+$0x0];
	[tilespmem:s30+$0x10] =	vst v11  }
0xd3: {  	v9 =	vmul.f32 $3.200000000e+01, v9;
	v4 =	vld [tilespmem:s31+$0x10];
	[tilespmem:s30+$0x30] =	vst v8  }
0xd4: {  	s13 =	simm.s32 $0x100;
	s0 =	simm.s32 $0x8;
	s10 =	simm.s32 $0x20;
	v8 =	vmul.f32 $3.200000000e+01, v10;
	[tilespmem:s30+$0x20] =	vst v3;
	v3 =	vld [tilespmem:s31+$0x20]  }
.LBB2_3:
0xd5: {  	s14 =	sand.u32 $0x2000, s13;
	s0 =	sadd.s32 $0x8, s0;
	v10 =	vld [tilespmem:s31+$0x30];
	s1 =	sadd.s32 $0x400, s1;
	[tilespmem:s30+$0x40] =	vst v9;
	v7 =	vmul.f32 $3.200000000e+01, v7  }
0xd6: {  	s15 =	sand.u32 $0x1C00, s1;
	s14 =	sadd.s32 s14, s29;
	p0 =	slt.u32 s0, $0x3F8;
	v9 =	vld [tilespmem:s31+$0x40];
	v5 =	vmul.f32 $3.200000000e+01, v5;
	[tilespmem:s30+$0x50] =	vst v8  }
0xd7: {  	s16 =	sand.u32 $0x380, s10;
	s14 =	sadd.s32 s15, s14;
	v6 =	vmul.f32 $3.200000000e+01, v6;
	v8 =	vld [tilespmem:s31+$0x50];
	[tilespmem:s30+$0x60] =	vst v7;
	s30 =	smov.u32 s31  }
.Ltmp0:
0xd8: {  	s31 =	sadd.s32 s16, s14;
	v4 =	vmul.f32 $3.200000000e+01, v4;
	v7 =	vld [tilespmem:s30+$0x60];
	[tilespmem:s30+$0x70] =	vst v5;
	(pc) =	sbr.rel @p0 .LBB2_3-.Ltmp0, $4  }
0xd9: {  	v5 =	vld [tilespmem:s31+$0x70];
	[tilespmem:s30+$0x0] =	vst v6;
	v3 =	vmul.f32 $3.200000000e+01, v3  }
0xda: {  	v6 =	vld [tilespmem:s31+$0x0];
	[tilespmem:s30+$0x10] =	vst v4;
	v10 =	vmul.f32 $3.200000000e+01, v10  }
0xdb: {  	v4 =	vld [tilespmem:s31+$0x10];
	[tilespmem:s30+$0x20] =	vst v3;
	v9 =	vmul.f32 $3.200000000e+01, v9  }
0xdc: {  	s10 =	sadd.s32 $0x10, s10;
	s13 =	sadd.s32 $0x80, s13;
	v3 =	vld [tilespmem:s31+$0x20];
	[tilespmem:s30+$0x30] =	vst v10;
	v8 =	vmul.f32 $3.200000000e+01, v8  }
0xdd: {  	v10 =	vld [tilespmem:s31+$0x30];
	[tilespmem:s30+$0x40] =	vst v9;
	v7 =	vmul.f32 $3.200000000e+01, v7  }
0xde: {  	v59 =	vld [tilespmem:s31+$0x40];
	v5 =	vmul.f32 $3.200000000e+01, v5;
	[tilespmem:s30+$0x50] =	vst v8  }
0xdf: {  	v60 =	vld [tilespmem:s31+$0x50];
	v6 =	vmul.f32 $3.200000000e+01, v6;
	[tilespmem:s30+$0x60] =	vst v7  }
0xe0: {  	v61 =	vld [tilespmem:s31+$0x60];
	v4 =	vmul.f32 $3.200000000e+01, v4;
	[tilespmem:s31+$0x70] =	vst v5  }
0xe1: {  	[tilespmem:s31+$0x0] =	vst v6;
	v3 =	vmul.f32 $3.200000000e+01, v3  }
0xe2: {  	s0 =	sshll.u32 s26, $0xB;
	s26 =	sadd.s32 $0x1, s26;
	[tilespmem:s31+$0x10] =	vst v4;
	v62 =	vmul.f32 $3.200000000e+01, v10  }
0xe3: {  	p0 =	sne.s32 s26, $0x20;
	[tilespmem:s31+$0x20] =	vst v3;
	v3 =	vmul.f32 $3.200000000e+01, v59  }
.Ltmp1:
0xe4: {  	v63 =	vmul.f32 $3.200000000e+01, v60;
	[tilespmem:s31+$0x30] =	vst v62;
	(pc) =	sbr.rel @p0 .LBB2_2-.Ltmp1, $4  }
0xe5: {  	[tilespmem:s31+$0x40] =	vst v3;
	v3 =	vmul.f32 $3.200000000e+01, v61  }
0xe6: {  	[tilespmem:s31+$0x50] =	vst v63  }
0xe7: {  	s1 =	sadd.s32 $0x8, s28;
	s0 =	sadd.s32 s0, s8;
	[tilespmem:s31+$0x60] =	vst v3  }
0xe8: {  	[hbm4b:s0+s3] =	stream.linear.scatter [tilespmem:s29], [sflag:s1], $0x4000, $0x38;
	[tilespmem:$0x1C200] =	vst v63  }
0xe9: {  	_ =	swait.ge [sflag:s18], $0x4000  }
0xea: {  	[sflag:s18] =	ssyncset.done $0x0  }
0xeb: {  	[sflag:s18] =	ssyncadd.s32 $0xFFFFC000  }
0xec: {  	_ =	swait.ge [sflag:s19], $0x4000  }
0xed: {  	[sflag:s19] =	ssyncset.done $0x0  }
0xee: {  	[sflag:s19] =	ssyncadd.s32 $0xFFFFC000  }
0xef: {  	_ =	swait.ge [sflag:s20], $0x4000  }
0xf0: {  	[sflag:s20] =	ssyncset.done $0x0  }
0xf1: {  	[sflag:s20] =	ssyncadd.s32 $0xFFFFC000  }
0xf2: {  	_ =	swait.ge [sflag:s21], $0x4000  }
0xf3: {  	[sflag:s21] =	ssyncset.done $0x0  }
0xf4: {  	[sflag:s21] =	ssyncadd.s32 $0xFFFFC000  }
0xf5: {  	_ =	swait.ge [sflag:s22], $0x4000  }
0xf6: {  	[sflag:s22] =	ssyncset.done $0x0  }
0xf7: {  	s25 =	sadd.s32 $0x1, s25;
	[sflag:s22] =	ssyncadd.s32 $0xFFFFC000  }
0xf8: {  	p0 =	sne.s32 s25, s9;
	_ =	swait.ge [sflag:s23], $0x4000  }
.Ltmp2:
0xf9: {  	[sflag:s23] =	ssyncset.done $0x0;
	(pc) =	sbr.rel @p0 .LBB2_1-.Ltmp2, $4  }
0xfa: {  	[sflag:s23] =	ssyncadd.s32 $0xFFFFC000  }
0xfb: {  	_ =	swait.ge [sflag:s24], $0x4000  }
0xfc: {  	[sflag:s24] =	ssyncset.done $0x0  }
0xfd: {  	[sflag:s24] =	ssyncadd.s32 $0xFFFFC000  }
0xfe: {  	_ =	sfence.sel $0x180000  }
0xff: {  	[bflag:$0x0] =	sbarrier.arrive $0xFFFF  }
0x100: {  	_ =	strace $0x90000047  }
0x101: {  	s0 =	stileid.u32;
	[bflag:$0x2] =	sbarrier.arrive $0xFFFF  }
0x102: {  	p0 =	sne.s32 s0, $0x0;
	s0 =	rddreg [dreg:$0x3]  }
0x103: {  	s0 =	sadd.s32 @!p0 $0x100000, s0  }
0x104: {  	[sflag:s0] =	ssyncadd.tile.s32 @!p0 $0x1;
	_ =	shalt  }
.Lfunc_end2:
_tile_overlayer_lowered:
.L_overlay_start_2:
0x105: {  	(tag) =	ssettag $0x2  }
0x106: {  	s0 =	rddreg [dreg:$0x0];
	s2 =	stileid.u32  }
0x107: {  	s1 =	rddreg [dreg:$0x1];
	p0 =	sne.s32 s2, $0x0  }
0x108: {  	s3 =	rddreg [dreg:$0x2];
	[bflag:$0x3] =	sbarrier.arrive $0xFFFF;
	s2 =	simm.s32 @!p0 $0x1C0F  }
0x109: {  	[timem:s3], [sflag:s2] =	dma.local @!p0 [hbm:s0], s1  }
0x10a: {  	s0 =	simm.s32 @!p0 $0xF  }
0x10b: {  	_ =	swait.ge @!p0 [sflag:s0], s1  }
0x10c: {  	s1 =	ssub.s32 @!p0 $0x0, s1;
	[sflag:s0] =	ssyncset.done @!p0 $0x0  }
0x10d: {  	[sflag:s0] =	ssyncadd.s32 @!p0 s1  }
0x10e: {  	[bflag:$0x3] =	sbarrier.arrive $0xFFFF  }
0x10f: {  	_ =	shalt  }

</sc_bundles>
